<compile_context>
chip_gen: v7x
topology: tpu7x:2x2x1
jax: 0.10.2.dev20260603
libtpu: 0.0.44.dev20260713+nightly
codegen_flags: <defaults>
</compile_context>

<pallas_src>
import jax
import jax.numpy as jnp
from jax import lax
from jax.experimental import pallas as pl
from jax.experimental.pallas import tpu as pltpu
from jax.experimental.pallas import tpu_sc as plsc

N = 50000
D = 256
G = 128

NC = 2
NS = 16
L = 16
W = NC * NS
SPW = G // W
KD = D // L

CH = 128


def _sc_body(x_hbm, b_hbm, out_hbm, batch_sh, batch_v, buf_v, acc_v, sems):
    cid = lax.axis_index("c")
    sid = lax.axis_index("s")
    wid = sid * NC + cid

    @pl.when(sid == 0)
    def _():
        pltpu.sync_copy(b_hbm, batch_sh)

    plsc.subcore_barrier()
    pltpu.sync_copy(batch_sh, batch_v)

    lanes = lax.iota(jnp.int32, L)
    gtarg = jnp.minimum(wid * SPW + lanes, G)

    def bs_body(_, lohi):
        lo, hi = lohi
        active = lo < hi
        mid = (lo + hi) >> 1
        probe = plsc.load_gather(batch_v, [jnp.minimum(mid, N - 1)])
        pred = probe < gtarg
        lo = jnp.where(active & pred, mid + 1, lo)
        hi = jnp.where(active & jnp.logical_not(pred), mid, hi)
        return lo, hi

    lo, _ = lax.fori_loop(
        0, 17, bs_body,
        (jnp.zeros((L,), jnp.int32), jnp.full((L,), N, jnp.int32)))

    def extract(i):
        return jnp.max(jnp.where(lanes == i, lo, jnp.int32(-1)))

    s0 = extract(0)
    s_end = extract(SPW)

    neg_inf = jnp.full((L,), -jnp.inf, jnp.float32)

    def init_body(k, carry):
        acc_v[pl.ds(pl.multiple_of(L * k, L), L)] = neg_inf
        return carry

    lax.fori_loop(0, SPW * KD, init_body, jnp.int32(0))

    a0 = (s0 >> 3) << 3
    nch = (s_end - a0 + CH - 1) // CH

    def chunk_off(cc):
        return pl.multiple_of(jnp.minimum(a0 + cc * CH, N - CH), 8)

    def slot_base(cc):
        return pl.multiple_of((cc & 1) * CH, 8)

    def issue(cc):
        pltpu.async_copy(x_hbm.at[pl.ds(chunk_off(cc), CH)],
                         buf_v.at[pl.ds(slot_base(cc), CH)],
                         sems.at[cc & 1])

    def wait(cc):
        pltpu.make_async_copy(x_hbm.at[pl.ds(0, CH)],
                              buf_v.at[pl.ds(slot_base(cc), CH)],
                              sems.at[cc & 1]).wait()

    @pl.when(nch > 0)
    def _():
        issue(0)

    def chunk_body(cc, carry):
        wait(cc)

        @pl.when(cc + 1 < nch)
        def _():
            issue(cc + 1)

        base = slot_base(cc)
        off = chunk_off(cc)

        def seg_body(gi, c2):
            b_lo = extract(gi)
            b_hi = extract(gi + 1)
            j_lo = jnp.clip(b_lo - off, 0, CH)
            j_hi = jnp.clip(b_hi - off, 0, CH)
            abase = pl.multiple_of(gi * D, L)
            accs = tuple(acc_v[pl.ds(abase + L * k, L)] for k in range(KD))

            def row_body(j, accs):
                return tuple(
                    jnp.maximum(accs[k], buf_v[base + j, pl.ds(L * k, L)])
                    for k in range(KD))

            accs = lax.fori_loop(j_lo, j_hi, row_body, accs)
            for k in range(KD):
                acc_v[pl.ds(abase + L * k, L)] = accs[k]
            return c2

        lax.fori_loop(0, SPW, seg_body, jnp.int32(0))
        return carry

    lax.fori_loop(0, nch, chunk_body, jnp.int32(0))

    pltpu.sync_copy(acc_v, out_hbm.at[pl.ds(wid * SPW * D, SPW * D)])


@jax.jit
def _sc_segment_max(x, batch):
    mesh = plsc.VectorSubcoreMesh(core_axis_name="c", subcore_axis_name="s")
    return pl.kernel(
        _sc_body,
        out_type=jax.ShapeDtypeStruct((G * D,), jnp.float32),
        mesh=mesh,
        compiler_params=pltpu.CompilerParams(needs_layout_passes=False,
                                             use_tc_tiling_on_sc=True),
        scratch_types=[
            pltpu.VMEM_SHARED((N,), jnp.int32),
            pltpu.VMEM((N,), jnp.int32),
            pltpu.VMEM((2 * CH, D), jnp.float32),
            pltpu.VMEM((SPW * D,), jnp.float32),
            pltpu.SemaphoreType.DMA((2,)),
        ],
    )(x, batch)


def kernel(x, batch):
    out = _sc_segment_max(x, batch)
    return out.reshape(G, D)

# --- scband reference (transcript-rebuilt; emitter-appended) ---
"""Pipeline reference for scband-max-readout-24910810316947 (READ-ONLY COPY).

The authoritative reference and input builder live on the scoring server;
editing this copy changes nothing except your own understanding.
"""

import jax, jax.numpy as jnp
import numpy as np

N = 50000
D = 256
G = 128

def setup_inputs(seed: int = 0) -> dict:
    key = jax.random.key(seed)
    k1, k2 = jax.random.split(key)
    x = jax.random.normal(k1, (N, D), dtype=jnp.float32)
    batch = jnp.sort(jax.random.randint(k2, (N,), 0, G, dtype=jnp.int32))
    return {"x": x, "batch": batch}

def reference(x, batch):
    # MaxReadout with batch vector: scatter(x, batch, dim=0, reduce='max')
    # == segment-max over node features grouped by graph id.
    out = jax.ops.segment_max(x, batch, num_segments=G)
    return out

if __name__ == "__main__":
    import jax
    _d = setup_inputs()
    print(jax.jit(kernel)(*tuple(_d.values())))

</pallas_src>

<mosaic_0001>
#map = affine_map<(d0, d1) -> (0, 0)>
#map1 = affine_map<(d0, d1) -> (0)>
module attributes {stable_mosaic.version = 14 : i64} {
  func.func @_sc_body(%arg0: i32, %arg1: i32, %arg2: memref<50000x256xf32, #tpu.memory_space<hbm>>, %arg3: memref<50000xi32, #tpu.memory_space<hbm>>, %arg4: memref<32768xf32, #tpu.memory_space<hbm>>, %arg5: memref<50000xi32, #tpu.memory_space<vmem_shared>>, %arg6: memref<50000xi32, #tpu.memory_space<vmem>>, %arg7: memref<256x256xf32, #tpu.memory_space<vmem>>, %arg8: memref<1024xf32, #tpu.memory_space<vmem>>, %arg9: memref<2x!tpu.dma_semaphore, #tpu.memory_space<semaphore_mem>>) attributes {dimension_semantics = [#tpu.dimension_semantics<core_parallel>, #tpu.dimension_semantics<subcore_parallel>], iteration_bounds = array<i64: 2, 16>, scalar_prefetch = 0 : i64, scratch_operands = 5 : i64, tpu.core_type = #tpu.core_type<sc_vector_subcore>, window_params = [{transform_indices = #map}, {transform_indices = #map1}, {transform_indices = #map1}]} {
    %mul3A = arith.constant 2 : i32
    %mul3A_0 = arith.muli %arg1, %mul3A : i32
    %add3A = arith.addi %mul3A_0, %arg0 : i32
    %eq3A = arith.constant 0 : i32
    %eq3A_1 = arith.cmpi eq, %arg1, %eq3A : i32
    %convert_element_type3A = arith.extui %eq3A_1 : i1 to i32
    %cond3A = arith.constant 0 : i32
    %cond3A_2 = arith.cmpi ne, %convert_element_type3A, %cond3A : i32
    scf.if %cond3A_2 {
      "tpu.region"() ({
        %run_scoped3A = tpu.sem_alloc : memref<!tpu.dma_semaphore, #tpu.memory_space<semaphore_mem>>
        tpu.enqueue_dma source(%arg3 : memref<50000xi32, #tpu.memory_space<hbm>>) target(%arg5 : memref<50000xi32, #tpu.memory_space<vmem_shared>>) target_semaphore(%run_scoped3A : memref<!tpu.dma_semaphore, #tpu.memory_space<semaphore_mem>>)
        tpu.wait_dma2 semaphore(%run_scoped3A : memref<!tpu.dma_semaphore, #tpu.memory_space<semaphore_mem>>) src(%arg3 : memref<50000xi32, #tpu.memory_space<hbm>>) dst(%arg5 : memref<50000xi32, #tpu.memory_space<vmem_shared>>)
        tpu.yield
      }) : () -> ()
    } else {
    }
    %barrier3A = arith.constant 0 : index
    tpu.barrier barrier_id(%barrier3A)
    "tpu.region"() ({
      %run_scoped3A = tpu.sem_alloc : memref<!tpu.dma_semaphore, #tpu.memory_space<semaphore_mem>>
      tpu.enqueue_dma source(%arg5 : memref<50000xi32, #tpu.memory_space<vmem_shared>>) target(%arg6 : memref<50000xi32, #tpu.memory_space<vmem>>) target_semaphore(%run_scoped3A : memref<!tpu.dma_semaphore, #tpu.memory_space<semaphore_mem>>)
      tpu.wait_dma2 semaphore(%run_scoped3A : memref<!tpu.dma_semaphore, #tpu.memory_space<semaphore_mem>>) src(%arg5 : memref<50000xi32, #tpu.memory_space<vmem_shared>>) dst(%arg6 : memref<50000xi32, #tpu.memory_space<vmem>>)
      tpu.yield
    }) : () -> ()
    %iota3A = tpu.iota {dimensions = array<i32: 0>} : vector<16xi32>
    %mul3A_3 = arith.constant 4 : i32
    %mul3A_4 = arith.muli %add3A, %mul3A_3 : i32
    %add3A_5 = vector.broadcast %mul3A_4 : i32 to vector<16xi32>
    %add3A_6 = arith.addi %add3A_5, %iota3A : vector<16xi32>
    %min3A = arith.constant 128 : i32
    %min3A_7 = vector.broadcast %min3A : i32 to vector<16xi32>
    %min3A_8 = arith.minsi %add3A_6, %min3A_7 : vector<16xi32>
    %broadcast_in_dim3A = arith.constant 0 : i32
    %broadcast_in_dim3A_9 = vector.broadcast %broadcast_in_dim3A : i32 to vector<16xi32>
    %broadcast_in_dim3A_10 = arith.constant 50000 : i32
    %broadcast_in_dim3A_11 = vector.broadcast %broadcast_in_dim3A_10 : i32 to vector<16xi32>
    %scan3A = arith.constant 0 : i32
    %scan3A_12 = arith.constant 17 : i32
    %scan3A_13 = arith.addi %scan3A, %scan3A_12 : i32
    %scan3A_14 = arith.constant 1 : i32
    %scan3A_15:2 = scf.for %scan3A_92 = %scan3A to %scan3A_13 step %scan3A_14 iter_args(%scan3A_93 = %broadcast_in_dim3A_9, %scan3A_94 = %broadcast_in_dim3A_11) -> (vector<16xi32>, vector<16xi32>)  : i32 {
      %lt3A = arith.cmpi slt, %scan3A_93, %scan3A_94 : vector<16xi32>
      %add3A_95 = arith.addi %scan3A_93, %scan3A_94 : vector<16xi32>
      %shift_right_arithmetic3A_96 = arith.constant 1 : i32
      %shift_right_arithmetic3A_97 = vector.broadcast %shift_right_arithmetic3A_96 : i32 to vector<16xi32>
      %shift_right_arithmetic3A_98 = arith.shrsi %add3A_95, %shift_right_arithmetic3A_97 : vector<16xi32>
      %min3A_99 = arith.constant 49999 : i32
      %min3A_100 = vector.broadcast %min3A_99 : i32 to vector<16xi32>
      %min3A_101 = arith.minsi %shift_right_arithmetic3A_98, %min3A_100 : vector<16xi32>
      %gather3A = tpu.vector_load_idx %arg6[%min3A_101] : memref<50000xi32, #tpu.memory_space<vmem>>[vector<16xi32>], vector<16xi32>,
      %lt3A_102 = arith.cmpi slt, %gather3A, %min3A_8 : vector<16xi32>
      %and3A_103 = arith.andi %lt3A, %lt3A_102 : vector<16xi1>
      %add3A_104 = arith.constant 1 : i32
      %add3A_105 = vector.broadcast %add3A_104 : i32 to vector<16xi32>
      %add3A_106 = arith.addi %shift_right_arithmetic3A_98, %add3A_105 : vector<16xi32>
      %select_n3A_107 = arith.select %and3A_103, %add3A_106, %scan3A_93 : vector<16xi1>, vector<16xi32>
      %not3A = arith.constant dense<true> : vector<16xi1>
      %not3A_108 = arith.xori %lt3A_102, %not3A : vector<16xi1>
      %and3A_109 = arith.andi %lt3A, %not3A_108 : vector<16xi1>
      %select_n3A_110 = arith.select %and3A_109, %shift_right_arithmetic3A_98, %scan3A_94 : vector<16xi1>, vector<16xi32>
      scf.yield %select_n3A_107, %select_n3A_110 : vector<16xi32>, vector<16xi32>
    }
    %scan3A_16 = arith.constant 17 : i32
    %eq3A_17 = arith.constant 0 : i32
    %eq3A_18 = vector.broadcast %eq3A_17 : i32 to vector<16xi32>
    %eq3A_19 = arith.cmpi eq, %iota3A, %eq3A_18 : vector<16xi32>
    %jit3A = arith.constant -1 : i32
    %broadcast_in_dim3A_20 = vector.broadcast %jit3A : i32 to vector<16xi32>
    %select_n3A = arith.select %eq3A_19, %scan3A_15#0, %broadcast_in_dim3A_20 : vector<16xi1>, vector<16xi32>
    %reduce_max3A = arith.constant true
    %reduce_max3A_21 = vector.broadcast %reduce_max3A : i1 to vector<16xi1>
    %reduce_max3A_22 = arith.constant -2147483648 : i32
    %reduce_max3A_23 = vector.broadcast %reduce_max3A_22 : i32 to vector<16xi32>
    %reduce_max3A_24 = arith.xori %select_n3A, %reduce_max3A_23 : vector<16xi32>
    %reduce_max3A_25 = tpu.scan <max>, %reduce_max3A_24 masked %reduce_max3A_21 : vector<16xi32>, vector<16xi1> -> vector<16xi32>
    %reduce_max3A_26 = arith.xori %reduce_max3A_25, %reduce_max3A_23 : vector<16xi32>
    %reduce_max3A_27 = vector.extract %reduce_max3A_26[15] : i32 from vector<16xi32>
    %eq3A_28 = arith.constant 4 : i32
    %eq3A_29 = vector.broadcast %eq3A_28 : i32 to vector<16xi32>
    %eq3A_30 = arith.cmpi eq, %iota3A, %eq3A_29 : vector<16xi32>
    %jit3A_31 = arith.constant -1 : i32
    %broadcast_in_dim3A_32 = vector.broadcast %jit3A_31 : i32 to vector<16xi32>
    %select_n3A_33 = arith.select %eq3A_30, %scan3A_15#0, %broadcast_in_dim3A_32 : vector<16xi1>, vector<16xi32>
    %reduce_max3A_34 = arith.constant true
    %reduce_max3A_35 = vector.broadcast %reduce_max3A_34 : i1 to vector<16xi1>
    %reduce_max3A_36 = arith.constant -2147483648 : i32
    %reduce_max3A_37 = vector.broadcast %reduce_max3A_36 : i32 to vector<16xi32>
    %reduce_max3A_38 = arith.xori %select_n3A_33, %reduce_max3A_37 : vector<16xi32>
    %reduce_max3A_39 = tpu.scan <max>, %reduce_max3A_38 masked %reduce_max3A_35 : vector<16xi32>, vector<16xi1> -> vector<16xi32>
    %reduce_max3A_40 = arith.xori %reduce_max3A_39, %reduce_max3A_37 : vector<16xi32>
    %reduce_max3A_41 = vector.extract %reduce_max3A_40[15] : i32 from vector<16xi32>
    %broadcast_in_dim3A_42 = arith.constant 0xFF800000 : f32
    %broadcast_in_dim3A_43 = vector.broadcast %broadcast_in_dim3A_42 : f32 to vector<16xf32>
    %scan3A_44 = arith.constant 0 : i32
    %scan3A_45 = arith.constant 0 : i32
    %scan3A_46 = arith.constant 64 : i32
    %scan3A_47 = arith.addi %scan3A_45, %scan3A_46 : i32
    %scan3A_48 = arith.constant 1 : i32
    scf.for %scan3A_92 = %scan3A_45 to %scan3A_47 step %scan3A_48  : i32 {
      %mul3A_93 = arith.constant 16 : i32
      %mul3A_94 = arith.muli %mul3A_93, %scan3A_92 : i32
      %multiple_of3A = tpu.assume_multiple %mul3A_94, 16 : i32
      %swap3A = arith.index_cast %multiple_of3A : i32 to index
      %swap3A_95 = tpu.vector_load %arg8[%swap3A] {strides = array<i32>} : memref<1024xf32, #tpu.memory_space<vmem>>, vector<16xf32>,
      tpu.vector_store %arg8[%swap3A], %broadcast_in_dim3A_43 {strides = array<i32>} : memref<1024xf32, #tpu.memory_space<vmem>>, vector<16xf32>,
    }
    %scan3A_49 = arith.constant 64 : i32
    %shift_right_arithmetic3A = arith.constant 3 : i32
    %shift_right_arithmetic3A_50 = arith.shrsi %reduce_max3A_27, %shift_right_arithmetic3A : i32
    %shift_left3A = arith.constant 3 : i32
    %shift_left3A_51 = arith.shli %shift_right_arithmetic3A_50, %shift_left3A : i32
    %sub3A = arith.subi %reduce_max3A_41, %shift_left3A_51 : i32
    %add3A_52 = arith.constant 128 : i32
    %add3A_53 = arith.addi %sub3A, %add3A_52 : i32
    %sub3A_54 = arith.constant 1 : i32
    %sub3A_55 = arith.subi %add3A_53, %sub3A_54 : i32
    %jit3A_56 = arith.constant 128 : i32
    %div3A = arith.divsi %sub3A_55, %jit3A_56 : i32
    %sign3A = arith.constant 0 : i32
    %sign3A_57 = arith.cmpi sgt, %sub3A_55, %sign3A : i32
    %sign3A_58 = arith.extui %sign3A_57 : i1 to i32
    %sign3A_59 = arith.constant 0 : i32
    %sign3A_60 = arith.cmpi slt, %sub3A_55, %sign3A_59 : i32
    %sign3A_61 = arith.extui %sign3A_60 : i1 to i32
    %sign3A_62 = arith.subi %sign3A_58, %sign3A_61 : i32
    %sign3A_63 = arith.constant 0 : i32
    %sign3A_64 = arith.cmpi sgt, %jit3A_56, %sign3A_63 : i32
    %sign3A_65 = arith.extui %sign3A_64 : i1 to i32
    %sign3A_66 = arith.constant 0 : i32
    %sign3A_67 = arith.cmpi slt, %jit3A_56, %sign3A_66 : i32
    %sign3A_68 = arith.extui %sign3A_67 : i1 to i32
    %sign3A_69 = arith.subi %sign3A_65, %sign3A_68 : i32
    %ne3A = arith.cmpi ne, %sign3A_62, %sign3A_69 : i32
    %rem3A = arith.remsi %sub3A_55, %jit3A_56 : i32
    %ne3A_70 = arith.constant 0 : i32
    %ne3A_71 = arith.cmpi ne, %rem3A, %ne3A_70 : i32
    %and3A = arith.andi %ne3A, %ne3A_71 : i1
    %sub3A_72 = arith.constant 1 : i32
    %sub3A_73 = arith.subi %div3A, %sub3A_72 : i32
    %select_n3A_74 = arith.select %and3A, %sub3A_73, %div3A : i32
    %gt3A = arith.constant 0 : i32
    %gt3A_75 = arith.cmpi sgt, %select_n3A_74, %gt3A : i32
    %convert_element_type3A_76 = arith.extui %gt3A_75 : i1 to i32
    %cond3A_77 = arith.constant 0 : i32
    %cond3A_78 = arith.cmpi ne, %convert_element_type3A_76, %cond3A_77 : i32
    scf.if %cond3A_78 {
      %add3A_92 = arith.constant 0 : i32
      %add3A_93 = arith.addi %shift_left3A_51, %add3A_92 : i32
      %min3A_94 = arith.constant 49872 : i32
      %min3A_95 = arith.minsi %add3A_93, %min3A_94 : i32
      %multiple_of3A = tpu.assume_multiple %min3A_95, 8 : i32
      %multiple_of3A_96 = arith.constant 0 : i32
      %multiple_of3A_97 = tpu.assume_multiple %multiple_of3A_96, 8 : i32
      %dma_start3A = arith.constant 0 : i32
      %dma_start3A_98 = arith.constant 0 : i32
      %dma_start3A_99 = tpu.memref_slice %arg7[%multiple_of3A_97, %dma_start3A_98] : memref<256x256xf32, #tpu.memory_space<vmem>> -> memref<128x256xf32, #tpu.memory_space<vmem>>
      %dma_start3A_100 = arith.constant 0 : i32
      %dma_start3A_101 = tpu.memref_slice %arg2[%multiple_of3A, %dma_start3A_100] : memref<50000x256xf32, #tpu.memory_space<hbm>> -> memref<128x256xf32, #tpu.memory_space<hbm>>
      %dma_start3A_102 = tpu.memref_slice %arg9[%dma_start3A] : memref<2x!tpu.dma_semaphore, #tpu.memory_space<semaphore_mem>> -> memref<1x!tpu.dma_semaphore, #tpu.memory_space<semaphore_mem>>
      %dma_start3A_103 = tpu.memref_squeeze %dma_start3A_102 : memref<1x!tpu.dma_semaphore, #tpu.memory_space<semaphore_mem>> -> memref<!tpu.dma_semaphore, #tpu.memory_space<semaphore_mem>>
      %dma_start3A_104 = arith.constant 0 : i32
      %dma_start3A_105 = tpu.memref_slice %arg7[%multiple_of3A_97, %dma_start3A_104] : memref<256x256xf32, #tpu.memory_space<vmem>> -> memref<128x256xf32, #tpu.memory_space<vmem>>
      %dma_start3A_106 = arith.constant 0 : i32
      %dma_start3A_107 = tpu.memref_slice %arg2[%multiple_of3A, %dma_start3A_106] : memref<50000x256xf32, #tpu.memory_space<hbm>> -> memref<128x256xf32, #tpu.memory_space<hbm>>
      tpu.enqueue_dma source(%dma_start3A_107 : memref<128x256xf32, #tpu.memory_space<hbm>>) target(%dma_start3A_105 : memref<128x256xf32, #tpu.memory_space<vmem>>) target_semaphore(%dma_start3A_103 : memref<!tpu.dma_semaphore, #tpu.memory_space<semaphore_mem>>)
    } else {
    }
    %while3A = arith.constant 0 : i32
    %while3A_79 = arith.constant 0 : i32
    %while3A_80 = arith.subi %select_n3A_74, %while3A_79 : i32
    %while3A_81 = arith.addi %while3A_79, %while3A_80 : i32
    %while3A_82 = arith.constant 1 : i32
    %while3A_83 = arith.divsi %while3A_80, %while3A_82 : i32
    %while3A_84 = arith.muli %while3A_83, %while3A_82 : i32
    %while3A_85 = arith.addi %while3A_79, %while3A_84 : i32
    %while3A_86 = arith.constant 1 : i32
    scf.for %while3A_92 = %while3A_79 to %while3A_85 step %while3A_86  : i32 {
      %and3A_93 = arith.constant 1 : i32
      %and3A_94 = arith.andi %while3A_92, %and3A_93 : i32
      %mul3A_95 = arith.constant 128 : i32
      %mul3A_96 = arith.muli %and3A_94, %mul3A_95 : i32
      %multiple_of3A = tpu.assume_multiple %mul3A_96, 8 : i32
      %and3A_97 = arith.constant 1 : i32
      %and3A_98 = arith.andi %while3A_92, %and3A_97 : i32
      %dma_wait3A = arith.constant 0 : i32
      %dma_wait3A_99 = tpu.memref_slice %arg7[%multiple_of3A, %dma_wait3A] : memref<256x256xf32, #tpu.memory_space<vmem>> -> memref<128x256xf32, #tpu.memory_space<vmem>>
      %dma_wait3A_100 = arith.constant 0 : i32
      %dma_wait3A_101 = arith.constant 0 : i32
      %dma_wait3A_102 = tpu.memref_slice %arg2[%dma_wait3A_100, %dma_wait3A_101] : memref<50000x256xf32, #tpu.memory_space<hbm>> -> memref<128x256xf32, #tpu.memory_space<hbm>>
      %dma_wait3A_103 = tpu.memref_slice %arg9[%and3A_98] : memref<2x!tpu.dma_semaphore, #tpu.memory_space<semaphore_mem>> -> memref<1x!tpu.dma_semaphore, #tpu.memory_space<semaphore_mem>>
      %dma_wait3A_104 = tpu.memref_squeeze %dma_wait3A_103 : memref<1x!tpu.dma_semaphore, #tpu.memory_space<semaphore_mem>> -> memref<!tpu.dma_semaphore, #tpu.memory_space<semaphore_mem>>
      %dma_wait3A_105 = arith.constant 0 : i32
      %dma_wait3A_106 = tpu.memref_slice %arg7[%multiple_of3A, %dma_wait3A_105] : memref<256x256xf32, #tpu.memory_space<vmem>> -> memref<128x256xf32, #tpu.memory_space<vmem>>
      %dma_wait3A_107 = arith.constant 0 : i32
      %dma_wait3A_108 = arith.constant 0 : i32
      %dma_wait3A_109 = tpu.memref_slice %arg2[%dma_wait3A_107, %dma_wait3A_108] : memref<50000x256xf32, #tpu.memory_space<hbm>> -> memref<128x256xf32, #tpu.memory_space<hbm>>
      tpu.wait_dma2 semaphore(%dma_wait3A_104 : memref<!tpu.dma_semaphore, #tpu.memory_space<semaphore_mem>>) src(%dma_wait3A_109 : memref<128x256xf32, #tpu.memory_space<hbm>>) dst(%dma_wait3A_106 : memref<128x256xf32, #tpu.memory_space<vmem>>)
      %add3A_110 = arith.constant 1 : i32
      %add3A_111 = arith.addi %while3A_92, %add3A_110 : i32
      %lt3A = arith.cmpi slt, %add3A_111, %select_n3A_74 : i32
      %convert_element_type3A_112 = arith.extui %lt3A : i1 to i32
      %cond3A_113 = arith.constant 0 : i32
      %cond3A_114 = arith.cmpi ne, %convert_element_type3A_112, %cond3A_113 : i32
      scf.if %cond3A_114 {
        %add3A_132 = arith.constant 1 : i32
        %add3A_133 = arith.addi %while3A_92, %add3A_132 : i32
        %mul3A_134 = arith.constant 128 : i32
        %mul3A_135 = arith.muli %add3A_133, %mul3A_134 : i32
        %add3A_136 = arith.addi %shift_left3A_51, %mul3A_135 : i32
        %min3A_137 = arith.constant 49872 : i32
        %min3A_138 = arith.minsi %add3A_136, %min3A_137 : i32
        %multiple_of3A_139 = tpu.assume_multiple %min3A_138, 8 : i32
        %and3A_140 = arith.constant 1 : i32
        %and3A_141 = arith.andi %add3A_133, %and3A_140 : i32
        %mul3A_142 = arith.constant 128 : i32
        %mul3A_143 = arith.muli %and3A_141, %mul3A_142 : i32
        %multiple_of3A_144 = tpu.assume_multiple %mul3A_143, 8 : i32
        %and3A_145 = arith.constant 1 : i32
        %and3A_146 = arith.andi %add3A_133, %and3A_145 : i32
        %dma_start3A = arith.constant 0 : i32
        %dma_start3A_147 = tpu.memref_slice %arg7[%multiple_of3A_144, %dma_start3A] : memref<256x256xf32, #tpu.memory_space<vmem>> -> memref<128x256xf32, #tpu.memory_space<vmem>>
        %dma_start3A_148 = arith.constant 0 : i32
        %dma_start3A_149 = tpu.memref_slice %arg2[%multiple_of3A_139, %dma_start3A_148] : memref<50000x256xf32, #tpu.memory_space<hbm>> -> memref<128x256xf32, #tpu.memory_space<hbm>>
        %dma_start3A_150 = tpu.memref_slice %arg9[%and3A_146] : memref<2x!tpu.dma_semaphore, #tpu.memory_space<semaphore_mem>> -> memref<1x!tpu.dma_semaphore, #tpu.memory_space<semaphore_mem>>
        %dma_start3A_151 = tpu.memref_squeeze %dma_start3A_150 : memref<1x!tpu.dma_semaphore, #tpu.memory_space<semaphore_mem>> -> memref<!tpu.dma_semaphore, #tpu.memory_space<semaphore_mem>>
        %dma_start3A_152 = arith.constant 0 : i32
        %dma_start3A_153 = tpu.memref_slice %arg7[%multiple_of3A_144, %dma_start3A_152] : memref<256x256xf32, #tpu.memory_space<vmem>> -> memref<128x256xf32, #tpu.memory_space<vmem>>
        %dma_start3A_154 = arith.constant 0 : i32
        %dma_start3A_155 = tpu.memref_slice %arg2[%multiple_of3A_139, %dma_start3A_154] : memref<50000x256xf32, #tpu.memory_space<hbm>> -> memref<128x256xf32, #tpu.memory_space<hbm>>
        tpu.enqueue_dma source(%dma_start3A_155 : memref<128x256xf32, #tpu.memory_space<hbm>>) target(%dma_start3A_153 : memref<128x256xf32, #tpu.memory_space<vmem>>) target_semaphore(%dma_start3A_151 : memref<!tpu.dma_semaphore, #tpu.memory_space<semaphore_mem>>)
      } else {
      }
      %and3A_115 = arith.constant 1 : i32
      %and3A_116 = arith.andi %while3A_92, %and3A_115 : i32
      %mul3A_117 = arith.constant 128 : i32
      %mul3A_118 = arith.muli %and3A_116, %mul3A_117 : i32
      %multiple_of3A_119 = tpu.assume_multiple %mul3A_118, 8 : i32
      %mul3A_120 = arith.constant 128 : i32
      %mul3A_121 = arith.muli %while3A_92, %mul3A_120 : i32
      %add3A_122 = arith.addi %shift_left3A_51, %mul3A_121 : i32
      %min3A_123 = arith.constant 49872 : i32
      %min3A_124 = arith.minsi %add3A_122, %min3A_123 : i32
      %multiple_of3A_125 = tpu.assume_multiple %min3A_124, 8 : i32
      %scan3A_126 = arith.constant 0 : i32
      %scan3A_127 = arith.constant 0 : i32
      %scan3A_128 = arith.constant 4 : i32
      %scan3A_129 = arith.addi %scan3A_127, %scan3A_128 : i32
      %scan3A_130 = arith.constant 1 : i32
      scf.for %scan3A_132 = %scan3A_127 to %scan3A_129 step %scan3A_130  : i32 {
        %eq3A_133 = vector.broadcast %scan3A_132 : i32 to vector<16xi32>
        %eq3A_134 = arith.cmpi eq, %iota3A, %eq3A_133 : vector<16xi32>
        %jit3A_135 = arith.constant -1 : i32
        %broadcast_in_dim3A_136 = vector.broadcast %jit3A_135 : i32 to vector<16xi32>
        %select_n3A_137 = arith.select %eq3A_134, %scan3A_15#0, %broadcast_in_dim3A_136 : vector<16xi1>, vector<16xi32>
        %reduce_max3A_138 = arith.constant true
        %reduce_max3A_139 = vector.broadcast %reduce_max3A_138 : i1 to vector<16xi1>
        %reduce_max3A_140 = arith.constant -2147483648 : i32
        %reduce_max3A_141 = vector.broadcast %reduce_max3A_140 : i32 to vector<16xi32>
        %reduce_max3A_142 = arith.xori %select_n3A_137, %reduce_max3A_141 : vector<16xi32>
        %reduce_max3A_143 = tpu.scan <max>, %reduce_max3A_142 masked %reduce_max3A_139 : vector<16xi32>, vector<16xi1> -> vector<16xi32>
        %reduce_max3A_144 = arith.xori %reduce_max3A_143, %reduce_max3A_141 : vector<16xi32>
        %reduce_max3A_145 = vector.extract %reduce_max3A_144[15] : i32 from vector<16xi32>
        %add3A_146 = arith.constant 1 : i32
        %add3A_147 = arith.addi %scan3A_132, %add3A_146 : i32
        %eq3A_148 = vector.broadcast %add3A_147 : i32 to vector<16xi32>
        %eq3A_149 = arith.cmpi eq, %iota3A, %eq3A_148 : vector<16xi32>
        %jit3A_150 = arith.constant -1 : i32
        %broadcast_in_dim3A_151 = vector.broadcast %jit3A_150 : i32 to vector<16xi32>
        %select_n3A_152 = arith.select %eq3A_149, %scan3A_15#0, %broadcast_in_dim3A_151 : vector<16xi1>, vector<16xi32>
        %reduce_max3A_153 = arith.constant true
        %reduce_max3A_154 = vector.broadcast %reduce_max3A_153 : i1 to vector<16xi1>
        %reduce_max3A_155 = arith.constant -2147483648 : i32
        %reduce_max3A_156 = vector.broadcast %reduce_max3A_155 : i32 to vector<16xi32>
        %reduce_max3A_157 = arith.xori %select_n3A_152, %reduce_max3A_156 : vector<16xi32>
        %reduce_max3A_158 = tpu.scan <max>, %reduce_max3A_157 masked %reduce_max3A_154 : vector<16xi32>, vector<16xi1> -> vector<16xi32>
        %reduce_max3A_159 = arith.xori %reduce_max3A_158, %reduce_max3A_156 : vector<16xi32>
        %reduce_max3A_160 = vector.extract %reduce_max3A_159[15] : i32 from vector<16xi32>
        %sub3A_161 = arith.subi %reduce_max3A_145, %multiple_of3A_125 : i32
        %jit3A_162 = arith.constant 0 : i32
        %jit3A_163 = arith.constant 128 : i32
        %max3A = arith.maxsi %jit3A_162, %sub3A_161 : i32
        %min3A_164 = arith.minsi %jit3A_163, %max3A : i32
        %sub3A_165 = arith.subi %reduce_max3A_160, %multiple_of3A_125 : i32
        %jit3A_166 = arith.constant 0 : i32
        %jit3A_167 = arith.constant 128 : i32
        %max3A_168 = arith.maxsi %jit3A_166, %sub3A_165 : i32
        %min3A_169 = arith.minsi %jit3A_167, %max3A_168 : i32
        %mul3A_170 = arith.constant 256 : i32
        %mul3A_171 = arith.muli %scan3A_132, %mul3A_170 : i32
        %multiple_of3A_172 = tpu.assume_multiple %mul3A_171, 16 : i32
        %add3A_173 = arith.constant 0 : i32
        %add3A_174 = arith.addi %multiple_of3A_172, %add3A_173 : i32
        %get3A = arith.index_cast %add3A_174 : i32 to index
        %get3A_175 = tpu.vector_load %arg8[%get3A] {strides = array<i32>} : memref<1024xf32, #tpu.memory_space<vmem>>, vector<16xf32>,
        %add3A_176 = arith.constant 16 : i32
        %add3A_177 = arith.addi %multiple_of3A_172, %add3A_176 : i32
        %get3A_178 = arith.index_cast %add3A_177 : i32 to index
        %get3A_179 = tpu.vector_load %arg8[%get3A_178] {strides = array<i32>} : memref<1024xf32, #tpu.memory_space<vmem>>, vector<16xf32>,
        %add3A_180 = arith.constant 32 : i32
        %add3A_181 = arith.addi %multiple_of3A_172, %add3A_180 : i32
        %get3A_182 = arith.index_cast %add3A_181 : i32 to index
        %get3A_183 = tpu.vector_load %arg8[%get3A_182] {strides = array<i32>} : memref<1024xf32, #tpu.memory_space<vmem>>, vector<16xf32>,
        %add3A_184 = arith.constant 48 : i32
        %add3A_185 = arith.addi %multiple_of3A_172, %add3A_184 : i32
        %get3A_186 = arith.index_cast %add3A_185 : i32 to index
        %get3A_187 = tpu.vector_load %arg8[%get3A_186] {strides = array<i32>} : memref<1024xf32, #tpu.memory_space<vmem>>, vector<16xf32>,
        %add3A_188 = arith.constant 64 : i32
        %add3A_189 = arith.addi %multiple_of3A_172, %add3A_188 : i32
        %get3A_190 = arith.index_cast %add3A_189 : i32 to index
        %get3A_191 = tpu.vector_load %arg8[%get3A_190] {strides = array<i32>} : memref<1024xf32, #tpu.memory_space<vmem>>, vector<16xf32>,
        %add3A_192 = arith.constant 80 : i32
        %add3A_193 = arith.addi %multiple_of3A_172, %add3A_192 : i32
        %get3A_194 = arith.index_cast %add3A_193 : i32 to index
        %get3A_195 = tpu.vector_load %arg8[%get3A_194] {strides = array<i32>} : memref<1024xf32, #tpu.memory_space<vmem>>, vector<16xf32>,
        %add3A_196 = arith.constant 96 : i32
        %add3A_197 = arith.addi %multiple_of3A_172, %add3A_196 : i32
        %get3A_198 = arith.index_cast %add3A_197 : i32 to index
        %get3A_199 = tpu.vector_load %arg8[%get3A_198] {strides = array<i32>} : memref<1024xf32, #tpu.memory_space<vmem>>, vector<16xf32>,
        %add3A_200 = arith.constant 112 : i32
        %add3A_201 = arith.addi %multiple_of3A_172, %add3A_200 : i32
        %get3A_202 = arith.index_cast %add3A_201 : i32 to index
        %get3A_203 = tpu.vector_load %arg8[%get3A_202] {strides = array<i32>} : memref<1024xf32, #tpu.memory_space<vmem>>, vector<16xf32>,
        %add3A_204 = arith.constant 128 : i32
        %add3A_205 = arith.addi %multiple_of3A_172, %add3A_204 : i32
        %get3A_206 = arith.index_cast %add3A_205 : i32 to index
        %get3A_207 = tpu.vector_load %arg8[%get3A_206] {strides = array<i32>} : memref<1024xf32, #tpu.memory_space<vmem>>, vector<16xf32>,
        %add3A_208 = arith.constant 144 : i32
        %add3A_209 = arith.addi %multiple_of3A_172, %add3A_208 : i32
        %get3A_210 = arith.index_cast %add3A_209 : i32 to index
        %get3A_211 = tpu.vector_load %arg8[%get3A_210] {strides = array<i32>} : memref<1024xf32, #tpu.memory_space<vmem>>, vector<16xf32>,
        %add3A_212 = arith.constant 160 : i32
        %add3A_213 = arith.addi %multiple_of3A_172, %add3A_212 : i32
        %get3A_214 = arith.index_cast %add3A_213 : i32 to index
        %get3A_215 = tpu.vector_load %arg8[%get3A_214] {strides = array<i32>} : memref<1024xf32, #tpu.memory_space<vmem>>, vector<16xf32>,
        %add3A_216 = arith.constant 176 : i32
        %add3A_217 = arith.addi %multiple_of3A_172, %add3A_216 : i32
        %get3A_218 = arith.index_cast %add3A_217 : i32 to index
        %get3A_219 = tpu.vector_load %arg8[%get3A_218] {strides = array<i32>} : memref<1024xf32, #tpu.memory_space<vmem>>, vector<16xf32>,
        %add3A_220 = arith.constant 192 : i32
        %add3A_221 = arith.addi %multiple_of3A_172, %add3A_220 : i32
        %get3A_222 = arith.index_cast %add3A_221 : i32 to index
        %get3A_223 = tpu.vector_load %arg8[%get3A_222] {strides = array<i32>} : memref<1024xf32, #tpu.memory_space<vmem>>, vector<16xf32>,
        %add3A_224 = arith.constant 208 : i32
        %add3A_225 = arith.addi %multiple_of3A_172, %add3A_224 : i32
        %get3A_226 = arith.index_cast %add3A_225 : i32 to index
        %get3A_227 = tpu.vector_load %arg8[%get3A_226] {strides = array<i32>} : memref<1024xf32, #tpu.memory_space<vmem>>, vector<16xf32>,
        %add3A_228 = arith.constant 224 : i32
        %add3A_229 = arith.addi %multiple_of3A_172, %add3A_228 : i32
        %get3A_230 = arith.index_cast %add3A_229 : i32 to index
        %get3A_231 = tpu.vector_load %arg8[%get3A_230] {strides = array<i32>} : memref<1024xf32, #tpu.memory_space<vmem>>, vector<16xf32>,
        %add3A_232 = arith.constant 240 : i32
        %add3A_233 = arith.addi %multiple_of3A_172, %add3A_232 : i32
        %get3A_234 = arith.index_cast %add3A_233 : i32 to index
        %get3A_235 = tpu.vector_load %arg8[%get3A_234] {strides = array<i32>} : memref<1024xf32, #tpu.memory_space<vmem>>, vector<16xf32>,
        %while3A_236 = arith.subi %min3A_169, %min3A_164 : i32
        %while3A_237 = arith.addi %min3A_164, %while3A_236 : i32
        %while3A_238 = arith.constant 1 : i32
        %while3A_239 = arith.divsi %while3A_236, %while3A_238 : i32
        %while3A_240 = arith.muli %while3A_239, %while3A_238 : i32
        %while3A_241 = arith.addi %min3A_164, %while3A_240 : i32
        %while3A_242 = arith.constant 1 : i32
        %while3A_243:16 = scf.for %while3A_309 = %min3A_164 to %while3A_241 step %while3A_242 iter_args(%while3A_310 = %get3A_175, %while3A_311 = %get3A_179, %while3A_312 = %get3A_183, %while3A_313 = %get3A_187, %while3A_314 = %get3A_191, %while3A_315 = %get3A_195, %while3A_316 = %get3A_199, %while3A_317 = %get3A_203, %while3A_318 = %get3A_207, %while3A_319 = %get3A_211, %while3A_320 = %get3A_215, %while3A_321 = %get3A_219, %while3A_322 = %get3A_223, %while3A_323 = %get3A_227, %while3A_324 = %get3A_231, %while3A_325 = %get3A_235) -> (vector<16xf32>, vector<16xf32>, vector<16xf32>, vector<16xf32>, vector<16xf32>, vector<16xf32>, vector<16xf32>, vector<16xf32>, vector<16xf32>, vector<16xf32>, vector<16xf32>, vector<16xf32>, vector<16xf32>, vector<16xf32>, vector<16xf32>, vector<16xf32>)  : i32 {
          %add3A_326 = arith.addi %multiple_of3A_119, %while3A_309 : i32
          %get3A_327 = arith.index_cast %add3A_326 : i32 to index
          %get3A_328 = arith.constant 0 : index
          %get3A_329 = tpu.vector_load %arg7[%get3A_327, %get3A_328] {strides = array<i32>} : memref<256x256xf32, #tpu.memory_space<vmem>>, vector<16xf32>,
          %max3A_330 = arith.maximumf %while3A_310, %get3A_329 : vector<16xf32>
          %add3A_331 = arith.addi %multiple_of3A_119, %while3A_309 : i32
          %get3A_332 = arith.index_cast %add3A_331 : i32 to index
          %get3A_333 = arith.constant 16 : index
          %get3A_334 = tpu.vector_load %arg7[%get3A_332, %get3A_333] {strides = array<i32>} : memref<256x256xf32, #tpu.memory_space<vmem>>, vector<16xf32>,
          %max3A_335 = arith.maximumf %while3A_311, %get3A_334 : vector<16xf32>
          %add3A_336 = arith.addi %multiple_of3A_119, %while3A_309 : i32
          %get3A_337 = arith.index_cast %add3A_336 : i32 to index
          %get3A_338 = arith.constant 32 : index
          %get3A_339 = tpu.vector_load %arg7[%get3A_337, %get3A_338] {strides = array<i32>} : memref<256x256xf32, #tpu.memory_space<vmem>>, vector<16xf32>,
          %max3A_340 = arith.maximumf %while3A_312, %get3A_339 : vector<16xf32>
          %add3A_341 = arith.addi %multiple_of3A_119, %while3A_309 : i32
          %get3A_342 = arith.index_cast %add3A_341 : i32 to index
          %get3A_343 = arith.constant 48 : index
          %get3A_344 = tpu.vector_load %arg7[%get3A_342, %get3A_343] {strides = array<i32>} : memref<256x256xf32, #tpu.memory_space<vmem>>, vector<16xf32>,
          %max3A_345 = arith.maximumf %while3A_313, %get3A_344 : vector<16xf32>
          %add3A_346 = arith.addi %multiple_of3A_119, %while3A_309 : i32
          %get3A_347 = arith.index_cast %add3A_346 : i32 to index
          %get3A_348 = arith.constant 64 : index
          %get3A_349 = tpu.vector_load %arg7[%get3A_347, %get3A_348] {strides = array<i32>} : memref<256x256xf32, #tpu.memory_space<vmem>>, vector<16xf32>,
          %max3A_350 = arith.maximumf %while3A_314, %get3A_349 : vector<16xf32>
          %add3A_351 = arith.addi %multiple_of3A_119, %while3A_309 : i32
          %get3A_352 = arith.index_cast %add3A_351 : i32 to index
          %get3A_353 = arith.constant 80 : index
          %get3A_354 = tpu.vector_load %arg7[%get3A_352, %get3A_353] {strides = array<i32>} : memref<256x256xf32, #tpu.memory_space<vmem>>, vector<16xf32>,
          %max3A_355 = arith.maximumf %while3A_315, %get3A_354 : vector<16xf32>
          %add3A_356 = arith.addi %multiple_of3A_119, %while3A_309 : i32
          %get3A_357 = arith.index_cast %add3A_356 : i32 to index
          %get3A_358 = arith.constant 96 : index
          %get3A_359 = tpu.vector_load %arg7[%get3A_357, %get3A_358] {strides = array<i32>} : memref<256x256xf32, #tpu.memory_space<vmem>>, vector<16xf32>,
          %max3A_360 = arith.maximumf %while3A_316, %get3A_359 : vector<16xf32>
          %add3A_361 = arith.addi %multiple_of3A_119, %while3A_309 : i32
          %get3A_362 = arith.index_cast %add3A_361 : i32 to index
          %get3A_363 = arith.constant 112 : index
          %get3A_364 = tpu.vector_load %arg7[%get3A_362, %get3A_363] {strides = array<i32>} : memref<256x256xf32, #tpu.memory_space<vmem>>, vector<16xf32>,
          %max3A_365 = arith.maximumf %while3A_317, %get3A_364 : vector<16xf32>
          %add3A_366 = arith.addi %multiple_of3A_119, %while3A_309 : i32
          %get3A_367 = arith.index_cast %add3A_366 : i32 to index
          %get3A_368 = arith.constant 128 : index
          %get3A_369 = tpu.vector_load %arg7[%get3A_367, %get3A_368] {strides = array<i32>} : memref<256x256xf32, #tpu.memory_space<vmem>>, vector<16xf32>,
          %max3A_370 = arith.maximumf %while3A_318, %get3A_369 : vector<16xf32>
          %add3A_371 = arith.addi %multiple_of3A_119, %while3A_309 : i32
          %get3A_372 = arith.index_cast %add3A_371 : i32 to index
          %get3A_373 = arith.constant 144 : index
          %get3A_374 = tpu.vector_load %arg7[%get3A_372, %get3A_373] {strides = array<i32>} : memref<256x256xf32, #tpu.memory_space<vmem>>, vector<16xf32>,
          %max3A_375 = arith.maximumf %while3A_319, %get3A_374 : vector<16xf32>
          %add3A_376 = arith.addi %multiple_of3A_119, %while3A_309 : i32
          %get3A_377 = arith.index_cast %add3A_376 : i32 to index
          %get3A_378 = arith.constant 160 : index
          %get3A_379 = tpu.vector_load %arg7[%get3A_377, %get3A_378] {strides = array<i32>} : memref<256x256xf32, #tpu.memory_space<vmem>>, vector<16xf32>,
          %max3A_380 = arith.maximumf %while3A_320, %get3A_379 : vector<16xf32>
          %add3A_381 = arith.addi %multiple_of3A_119, %while3A_309 : i32
          %get3A_382 = arith.index_cast %add3A_381 : i32 to index
          %get3A_383 = arith.constant 176 : index
          %get3A_384 = tpu.vector_load %arg7[%get3A_382, %get3A_383] {strides = array<i32>} : memref<256x256xf32, #tpu.memory_space<vmem>>, vector<16xf32>,
          %max3A_385 = arith.maximumf %while3A_321, %get3A_384 : vector<16xf32>
          %add3A_386 = arith.addi %multiple_of3A_119, %while3A_309 : i32
          %get3A_387 = arith.index_cast %add3A_386 : i32 to index
          %get3A_388 = arith.constant 192 : index
          %get3A_389 = tpu.vector_load %arg7[%get3A_387, %get3A_388] {strides = array<i32>} : memref<256x256xf32, #tpu.memory_space<vmem>>, vector<16xf32>,
          %max3A_390 = arith.maximumf %while3A_322, %get3A_389 : vector<16xf32>
          %add3A_391 = arith.addi %multiple_of3A_119, %while3A_309 : i32
          %get3A_392 = arith.index_cast %add3A_391 : i32 to index
          %get3A_393 = arith.constant 208 : index
          %get3A_394 = tpu.vector_load %arg7[%get3A_392, %get3A_393] {strides = array<i32>} : memref<256x256xf32, #tpu.memory_space<vmem>>, vector<16xf32>,
          %max3A_395 = arith.maximumf %while3A_323, %get3A_394 : vector<16xf32>
          %add3A_396 = arith.addi %multiple_of3A_119, %while3A_309 : i32
          %get3A_397 = arith.index_cast %add3A_396 : i32 to index
          %get3A_398 = arith.constant 224 : index
          %get3A_399 = tpu.vector_load %arg7[%get3A_397, %get3A_398] {strides = array<i32>} : memref<256x256xf32, #tpu.memory_space<vmem>>, vector<16xf32>,
          %max3A_400 = arith.maximumf %while3A_324, %get3A_399 : vector<16xf32>
          %add3A_401 = arith.addi %multiple_of3A_119, %while3A_309 : i32
          %get3A_402 = arith.index_cast %add3A_401 : i32 to index
          %get3A_403 = arith.constant 240 : index
          %get3A_404 = tpu.vector_load %arg7[%get3A_402, %get3A_403] {strides = array<i32>} : memref<256x256xf32, #tpu.memory_space<vmem>>, vector<16xf32>,
          %max3A_405 = arith.maximumf %while3A_325, %get3A_404 : vector<16xf32>
          scf.yield %max3A_330, %max3A_335, %max3A_340, %max3A_345, %max3A_350, %max3A_355, %max3A_360, %max3A_365, %max3A_370, %max3A_375, %max3A_380, %max3A_385, %max3A_390, %max3A_395, %max3A_400, %max3A_405 : vector<16xf32>, vector<16xf32>, vector<16xf32>, vector<16xf32>, vector<16xf32>, vector<16xf32>, vector<16xf32>, vector<16xf32>, vector<16xf32>, vector<16xf32>, vector<16xf32>, vector<16xf32>, vector<16xf32>, vector<16xf32>, vector<16xf32>, vector<16xf32>
        }
        %while3A_244 = arith.constant 1 : i32
        %while3A_245:16 = scf.for %while3A_309 = %while3A_241 to %while3A_237 step %while3A_244 iter_args(%while3A_310 = %while3A_243#0, %while3A_311 = %while3A_243#1, %while3A_312 = %while3A_243#2, %while3A_313 = %while3A_243#3, %while3A_314 = %while3A_243#4, %while3A_315 = %while3A_243#5, %while3A_316 = %while3A_243#6, %while3A_317 = %while3A_243#7, %while3A_318 = %while3A_243#8, %while3A_319 = %while3A_243#9, %while3A_320 = %while3A_243#10, %while3A_321 = %while3A_243#11, %while3A_322 = %while3A_243#12, %while3A_323 = %while3A_243#13, %while3A_324 = %while3A_243#14, %while3A_325 = %while3A_243#15) -> (vector<16xf32>, vector<16xf32>, vector<16xf32>, vector<16xf32>, vector<16xf32>, vector<16xf32>, vector<16xf32>, vector<16xf32>, vector<16xf32>, vector<16xf32>, vector<16xf32>, vector<16xf32>, vector<16xf32>, vector<16xf32>, vector<16xf32>, vector<16xf32>)  : i32 {
          %add3A_326 = arith.addi %multiple_of3A_119, %while3A_309 : i32
          %get3A_327 = arith.index_cast %add3A_326 : i32 to index
          %get3A_328 = arith.constant 0 : index
          %get3A_329 = tpu.vector_load %arg7[%get3A_327, %get3A_328] {strides = array<i32>} : memref<256x256xf32, #tpu.memory_space<vmem>>, vector<16xf32>,
          %max3A_330 = arith.maximumf %while3A_310, %get3A_329 : vector<16xf32>
          %add3A_331 = arith.addi %multiple_of3A_119, %while3A_309 : i32
          %get3A_332 = arith.index_cast %add3A_331 : i32 to index
          %get3A_333 = arith.constant 16 : index
          %get3A_334 = tpu.vector_load %arg7[%get3A_332, %get3A_333] {strides = array<i32>} : memref<256x256xf32, #tpu.memory_space<vmem>>, vector<16xf32>,
          %max3A_335 = arith.maximumf %while3A_311, %get3A_334 : vector<16xf32>
          %add3A_336 = arith.addi %multiple_of3A_119, %while3A_309 : i32
          %get3A_337 = arith.index_cast %add3A_336 : i32 to index
          %get3A_338 = arith.constant 32 : index
          %get3A_339 = tpu.vector_load %arg7[%get3A_337, %get3A_338] {strides = array<i32>} : memref<256x256xf32, #tpu.memory_space<vmem>>, vector<16xf32>,
          %max3A_340 = arith.maximumf %while3A_312, %get3A_339 : vector<16xf32>
          %add3A_341 = arith.addi %multiple_of3A_119, %while3A_309 : i32
          %get3A_342 = arith.index_cast %add3A_341 : i32 to index
          %get3A_343 = arith.constant 48 : index
          %get3A_344 = tpu.vector_load %arg7[%get3A_342, %get3A_343] {strides = array<i32>} : memref<256x256xf32, #tpu.memory_space<vmem>>, vector<16xf32>,
          %max3A_345 = arith.maximumf %while3A_313, %get3A_344 : vector<16xf32>
          %add3A_346 = arith.addi %multiple_of3A_119, %while3A_309 : i32
          %get3A_347 = arith.index_cast %add3A_346 : i32 to index
          %get3A_348 = arith.constant 64 : index
          %get3A_349 = tpu.vector_load %arg7[%get3A_347, %get3A_348] {strides = array<i32>} : memref<256x256xf32, #tpu.memory_space<vmem>>, vector<16xf32>,
          %max3A_350 = arith.maximumf %while3A_314, %get3A_349 : vector<16xf32>
          %add3A_351 = arith.addi %multiple_of3A_119, %while3A_309 : i32
          %get3A_352 = arith.index_cast %add3A_351 : i32 to index
          %get3A_353 = arith.constant 80 : index
          %get3A_354 = tpu.vector_load %arg7[%get3A_352, %get3A_353] {strides = array<i32>} : memref<256x256xf32, #tpu.memory_space<vmem>>, vector<16xf32>,
          %max3A_355 = arith.maximumf %while3A_315, %get3A_354 : vector<16xf32>
          %add3A_356 = arith.addi %multiple_of3A_119, %while3A_309 : i32
          %get3A_357 = arith.index_cast %add3A_356 : i32 to index
          %get3A_358 = arith.constant 96 : index
          %get3A_359 = tpu.vector_load %arg7[%get3A_357, %get3A_358] {strides = array<i32>} : memref<256x256xf32, #tpu.memory_space<vmem>>, vector<16xf32>,
          %max3A_360 = arith.maximumf %while3A_316, %get3A_359 : vector<16xf32>
          %add3A_361 = arith.addi %multiple_of3A_119, %while3A_309 : i32
          %get3A_362 = arith.index_cast %add3A_361 : i32 to index
          %get3A_363 = arith.constant 112 : index
          %get3A_364 = tpu.vector_load %arg7[%get3A_362, %get3A_363] {strides = array<i32>} : memref<256x256xf32, #tpu.memory_space<vmem>>, vector<16xf32>,
          %max3A_365 = arith.maximumf %while3A_317, %get3A_364 : vector<16xf32>
          %add3A_366 = arith.addi %multiple_of3A_119, %while3A_309 : i32
          %get3A_367 = arith.index_cast %add3A_366 : i32 to index
          %get3A_368 = arith.constant 128 : index
          %get3A_369 = tpu.vector_load %arg7[%get3A_367, %get3A_368] {strides = array<i32>} : memref<256x256xf32, #tpu.memory_space<vmem>>, vector<16xf32>,
          %max3A_370 = arith.maximumf %while3A_318, %get3A_369 : vector<16xf32>
          %add3A_371 = arith.addi %multiple_of3A_119, %while3A_309 : i32
          %get3A_372 = arith.index_cast %add3A_371 : i32 to index
          %get3A_373 = arith.constant 144 : index
          %get3A_374 = tpu.vector_load %arg7[%get3A_372, %get3A_373] {strides = array<i32>} : memref<256x256xf32, #tpu.memory_space<vmem>>, vector<16xf32>,
          %max3A_375 = arith.maximumf %while3A_319, %get3A_374 : vector<16xf32>
          %add3A_376 = arith.addi %multiple_of3A_119, %while3A_309 : i32
          %get3A_377 = arith.index_cast %add3A_376 : i32 to index
          %get3A_378 = arith.constant 160 : index
          %get3A_379 = tpu.vector_load %arg7[%get3A_377, %get3A_378] {strides = array<i32>} : memref<256x256xf32, #tpu.memory_space<vmem>>, vector<16xf32>,
          %max3A_380 = arith.maximumf %while3A_320, %get3A_379 : vector<16xf32>
          %add3A_381 = arith.addi %multiple_of3A_119, %while3A_309 : i32
          %get3A_382 = arith.index_cast %add3A_381 : i32 to index
          %get3A_383 = arith.constant 176 : index
          %get3A_384 = tpu.vector_load %arg7[%get3A_382, %get3A_383] {strides = array<i32>} : memref<256x256xf32, #tpu.memory_space<vmem>>, vector<16xf32>,
          %max3A_385 = arith.maximumf %while3A_321, %get3A_384 : vector<16xf32>
          %add3A_386 = arith.addi %multiple_of3A_119, %while3A_309 : i32
          %get3A_387 = arith.index_cast %add3A_386 : i32 to index
          %get3A_388 = arith.constant 192 : index
          %get3A_389 = tpu.vector_load %arg7[%get3A_387, %get3A_388] {strides = array<i32>} : memref<256x256xf32, #tpu.memory_space<vmem>>, vector<16xf32>,
          %max3A_390 = arith.maximumf %while3A_322, %get3A_389 : vector<16xf32>
          %add3A_391 = arith.addi %multiple_of3A_119, %while3A_309 : i32
          %get3A_392 = arith.index_cast %add3A_391 : i32 to index
          %get3A_393 = arith.constant 208 : index
          %get3A_394 = tpu.vector_load %arg7[%get3A_392, %get3A_393] {strides = array<i32>} : memref<256x256xf32, #tpu.memory_space<vmem>>, vector<16xf32>,
          %max3A_395 = arith.maximumf %while3A_323, %get3A_394 : vector<16xf32>
          %add3A_396 = arith.addi %multiple_of3A_119, %while3A_309 : i32
          %get3A_397 = arith.index_cast %add3A_396 : i32 to index
          %get3A_398 = arith.constant 224 : index
          %get3A_399 = tpu.vector_load %arg7[%get3A_397, %get3A_398] {strides = array<i32>} : memref<256x256xf32, #tpu.memory_space<vmem>>, vector<16xf32>,
          %max3A_400 = arith.maximumf %while3A_324, %get3A_399 : vector<16xf32>
          %add3A_401 = arith.addi %multiple_of3A_119, %while3A_309 : i32
          %get3A_402 = arith.index_cast %add3A_401 : i32 to index
          %get3A_403 = arith.constant 240 : index
          %get3A_404 = tpu.vector_load %arg7[%get3A_402, %get3A_403] {strides = array<i32>} : memref<256x256xf32, #tpu.memory_space<vmem>>, vector<16xf32>,
          %max3A_405 = arith.maximumf %while3A_325, %get3A_404 : vector<16xf32>
          scf.yield %max3A_330, %max3A_335, %max3A_340, %max3A_345, %max3A_350, %max3A_355, %max3A_360, %max3A_365, %max3A_370, %max3A_375, %max3A_380, %max3A_385, %max3A_390, %max3A_395, %max3A_400, %max3A_405 : vector<16xf32>, vector<16xf32>, vector<16xf32>, vector<16xf32>, vector<16xf32>, vector<16xf32>, vector<16xf32>, vector<16xf32>, vector<16xf32>, vector<16xf32>, vector<16xf32>, vector<16xf32>, vector<16xf32>, vector<16xf32>, vector<16xf32>, vector<16xf32>
        }
        %add3A_246 = arith.constant 0 : i32
        %add3A_247 = arith.addi %multiple_of3A_172, %add3A_246 : i32
        %swap3A = arith.index_cast %add3A_247 : i32 to index
        %swap3A_248 = tpu.vector_load %arg8[%swap3A] {strides = array<i32>} : memref<1024xf32, #tpu.memory_space<vmem>>, vector<16xf32>,
        tpu.vector_store %arg8[%swap3A], %while3A_245#0 {strides = array<i32>} : memref<1024xf32, #tpu.memory_space<vmem>>, vector<16xf32>,
        %add3A_249 = arith.constant 16 : i32
        %add3A_250 = arith.addi %multiple_of3A_172, %add3A_249 : i32
        %swap3A_251 = arith.index_cast %add3A_250 : i32 to index
        %swap3A_252 = tpu.vector_load %arg8[%swap3A_251] {strides = array<i32>} : memref<1024xf32, #tpu.memory_space<vmem>>, vector<16xf32>,
        tpu.vector_store %arg8[%swap3A_251], %while3A_245#1 {strides = array<i32>} : memref<1024xf32, #tpu.memory_space<vmem>>, vector<16xf32>,
        %add3A_253 = arith.constant 32 : i32
        %add3A_254 = arith.addi %multiple_of3A_172, %add3A_253 : i32
        %swap3A_255 = arith.index_cast %add3A_254 : i32 to index
        %swap3A_256 = tpu.vector_load %arg8[%swap3A_255] {strides = array<i32>} : memref<1024xf32, #tpu.memory_space<vmem>>, vector<16xf32>,
        tpu.vector_store %arg8[%swap3A_255], %while3A_245#2 {strides = array<i32>} : memref<1024xf32, #tpu.memory_space<vmem>>, vector<16xf32>,
        %add3A_257 = arith.constant 48 : i32
        %add3A_258 = arith.addi %multiple_of3A_172, %add3A_257 : i32
        %swap3A_259 = arith.index_cast %add3A_258 : i32 to index
        %swap3A_260 = tpu.vector_load %arg8[%swap3A_259] {strides = array<i32>} : memref<1024xf32, #tpu.memory_space<vmem>>, vector<16xf32>,
        tpu.vector_store %arg8[%swap3A_259], %while3A_245#3 {strides = array<i32>} : memref<1024xf32, #tpu.memory_space<vmem>>, vector<16xf32>,
        %add3A_261 = arith.constant 64 : i32
        %add3A_262 = arith.addi %multiple_of3A_172, %add3A_261 : i32
        %swap3A_263 = arith.index_cast %add3A_262 : i32 to index
        %swap3A_264 = tpu.vector_load %arg8[%swap3A_263] {strides = array<i32>} : memref<1024xf32, #tpu.memory_space<vmem>>, vector<16xf32>,
        tpu.vector_store %arg8[%swap3A_263], %while3A_245#4 {strides = array<i32>} : memref<1024xf32, #tpu.memory_space<vmem>>, vector<16xf32>,
        %add3A_265 = arith.constant 80 : i32
        %add3A_266 = arith.addi %multiple_of3A_172, %add3A_265 : i32
        %swap3A_267 = arith.index_cast %add3A_266 : i32 to index
        %swap3A_268 = tpu.vector_load %arg8[%swap3A_267] {strides = array<i32>} : memref<1024xf32, #tpu.memory_space<vmem>>, vector<16xf32>,
        tpu.vector_store %arg8[%swap3A_267], %while3A_245#5 {strides = array<i32>} : memref<1024xf32, #tpu.memory_space<vmem>>, vector<16xf32>,
        %add3A_269 = arith.constant 96 : i32
        %add3A_270 = arith.addi %multiple_of3A_172, %add3A_269 : i32
        %swap3A_271 = arith.index_cast %add3A_270 : i32 to index
        %swap3A_272 = tpu.vector_load %arg8[%swap3A_271] {strides = array<i32>} : memref<1024xf32, #tpu.memory_space<vmem>>, vector<16xf32>,
        tpu.vector_store %arg8[%swap3A_271], %while3A_245#6 {strides = array<i32>} : memref<1024xf32, #tpu.memory_space<vmem>>, vector<16xf32>,
        %add3A_273 = arith.constant 112 : i32
        %add3A_274 = arith.addi %multiple_of3A_172, %add3A_273 : i32
        %swap3A_275 = arith.index_cast %add3A_274 : i32 to index
        %swap3A_276 = tpu.vector_load %arg8[%swap3A_275] {strides = array<i32>} : memref<1024xf32, #tpu.memory_space<vmem>>, vector<16xf32>,
        tpu.vector_store %arg8[%swap3A_275], %while3A_245#7 {strides = array<i32>} : memref<1024xf32, #tpu.memory_space<vmem>>, vector<16xf32>,
        %add3A_277 = arith.constant 128 : i32
        %add3A_278 = arith.addi %multiple_of3A_172, %add3A_277 : i32
        %swap3A_279 = arith.index_cast %add3A_278 : i32 to index
        %swap3A_280 = tpu.vector_load %arg8[%swap3A_279] {strides = array<i32>} : memref<1024xf32, #tpu.memory_space<vmem>>, vector<16xf32>,
        tpu.vector_store %arg8[%swap3A_279], %while3A_245#8 {strides = array<i32>} : memref<1024xf32, #tpu.memory_space<vmem>>, vector<16xf32>,
        %add3A_281 = arith.constant 144 : i32
        %add3A_282 = arith.addi %multiple_of3A_172, %add3A_281 : i32
        %swap3A_283 = arith.index_cast %add3A_282 : i32 to index
        %swap3A_284 = tpu.vector_load %arg8[%swap3A_283] {strides = array<i32>} : memref<1024xf32, #tpu.memory_space<vmem>>, vector<16xf32>,
        tpu.vector_store %arg8[%swap3A_283], %while3A_245#9 {strides = array<i32>} : memref<1024xf32, #tpu.memory_space<vmem>>, vector<16xf32>,
        %add3A_285 = arith.constant 160 : i32
        %add3A_286 = arith.addi %multiple_of3A_172, %add3A_285 : i32
        %swap3A_287 = arith.index_cast %add3A_286 : i32 to index
        %swap3A_288 = tpu.vector_load %arg8[%swap3A_287] {strides = array<i32>} : memref<1024xf32, #tpu.memory_space<vmem>>, vector<16xf32>,
        tpu.vector_store %arg8[%swap3A_287], %while3A_245#10 {strides = array<i32>} : memref<1024xf32, #tpu.memory_space<vmem>>, vector<16xf32>,
        %add3A_289 = arith.constant 176 : i32
        %add3A_290 = arith.addi %multiple_of3A_172, %add3A_289 : i32
        %swap3A_291 = arith.index_cast %add3A_290 : i32 to index
        %swap3A_292 = tpu.vector_load %arg8[%swap3A_291] {strides = array<i32>} : memref<1024xf32, #tpu.memory_space<vmem>>, vector<16xf32>,
        tpu.vector_store %arg8[%swap3A_291], %while3A_245#11 {strides = array<i32>} : memref<1024xf32, #tpu.memory_space<vmem>>, vector<16xf32>,
        %add3A_293 = arith.constant 192 : i32
        %add3A_294 = arith.addi %multiple_of3A_172, %add3A_293 : i32
        %swap3A_295 = arith.index_cast %add3A_294 : i32 to index
        %swap3A_296 = tpu.vector_load %arg8[%swap3A_295] {strides = array<i32>} : memref<1024xf32, #tpu.memory_space<vmem>>, vector<16xf32>,
        tpu.vector_store %arg8[%swap3A_295], %while3A_245#12 {strides = array<i32>} : memref<1024xf32, #tpu.memory_space<vmem>>, vector<16xf32>,
        %add3A_297 = arith.constant 208 : i32
        %add3A_298 = arith.addi %multiple_of3A_172, %add3A_297 : i32
        %swap3A_299 = arith.index_cast %add3A_298 : i32 to index
        %swap3A_300 = tpu.vector_load %arg8[%swap3A_299] {strides = array<i32>} : memref<1024xf32, #tpu.memory_space<vmem>>, vector<16xf32>,
        tpu.vector_store %arg8[%swap3A_299], %while3A_245#13 {strides = array<i32>} : memref<1024xf32, #tpu.memory_space<vmem>>, vector<16xf32>,
        %add3A_301 = arith.constant 224 : i32
        %add3A_302 = arith.addi %multiple_of3A_172, %add3A_301 : i32
        %swap3A_303 = arith.index_cast %add3A_302 : i32 to index
        %swap3A_304 = tpu.vector_load %arg8[%swap3A_303] {strides = array<i32>} : memref<1024xf32, #tpu.memory_space<vmem>>, vector<16xf32>,
        tpu.vector_store %arg8[%swap3A_303], %while3A_245#14 {strides = array<i32>} : memref<1024xf32, #tpu.memory_space<vmem>>, vector<16xf32>,
        %add3A_305 = arith.constant 240 : i32
        %add3A_306 = arith.addi %multiple_of3A_172, %add3A_305 : i32
        %swap3A_307 = arith.index_cast %add3A_306 : i32 to index
        %swap3A_308 = tpu.vector_load %arg8[%swap3A_307] {strides = array<i32>} : memref<1024xf32, #tpu.memory_space<vmem>>, vector<16xf32>,
        tpu.vector_store %arg8[%swap3A_307], %while3A_245#15 {strides = array<i32>} : memref<1024xf32, #tpu.memory_space<vmem>>, vector<16xf32>,
      }
      %scan3A_131 = arith.constant 4 : i32
    }
    %while3A_87 = arith.constant 1 : i32
    scf.for %while3A_92 = %while3A_85 to %while3A_81 step %while3A_87  : i32 {
      %and3A_93 = arith.constant 1 : i32
      %and3A_94 = arith.andi %while3A_92, %and3A_93 : i32
      %mul3A_95 = arith.constant 128 : i32
      %mul3A_96 = arith.muli %and3A_94, %mul3A_95 : i32
      %multiple_of3A = tpu.assume_multiple %mul3A_96, 8 : i32
      %and3A_97 = arith.constant 1 : i32
      %and3A_98 = arith.andi %while3A_92, %and3A_97 : i32
      %dma_wait3A = arith.constant 0 : i32
      %dma_wait3A_99 = tpu.memref_slice %arg7[%multiple_of3A, %dma_wait3A] : memref<256x256xf32, #tpu.memory_space<vmem>> -> memref<128x256xf32, #tpu.memory_space<vmem>>
      %dma_wait3A_100 = arith.constant 0 : i32
      %dma_wait3A_101 = arith.constant 0 : i32
      %dma_wait3A_102 = tpu.memref_slice %arg2[%dma_wait3A_100, %dma_wait3A_101] : memref<50000x256xf32, #tpu.memory_space<hbm>> -> memref<128x256xf32, #tpu.memory_space<hbm>>
      %dma_wait3A_103 = tpu.memref_slice %arg9[%and3A_98] : memref<2x!tpu.dma_semaphore, #tpu.memory_space<semaphore_mem>> -> memref<1x!tpu.dma_semaphore, #tpu.memory_space<semaphore_mem>>
      %dma_wait3A_104 = tpu.memref_squeeze %dma_wait3A_103 : memref<1x!tpu.dma_semaphore, #tpu.memory_space<semaphore_mem>> -> memref<!tpu.dma_semaphore, #tpu.memory_space<semaphore_mem>>
      %dma_wait3A_105 = arith.constant 0 : i32
      %dma_wait3A_106 = tpu.memref_slice %arg7[%multiple_of3A, %dma_wait3A_105] : memref<256x256xf32, #tpu.memory_space<vmem>> -> memref<128x256xf32, #tpu.memory_space<vmem>>
      %dma_wait3A_107 = arith.constant 0 : i32
      %dma_wait3A_108 = arith.constant 0 : i32
      %dma_wait3A_109 = tpu.memref_slice %arg2[%dma_wait3A_107, %dma_wait3A_108] : memref<50000x256xf32, #tpu.memory_space<hbm>> -> memref<128x256xf32, #tpu.memory_space<hbm>>
      tpu.wait_dma2 semaphore(%dma_wait3A_104 : memref<!tpu.dma_semaphore, #tpu.memory_space<semaphore_mem>>) src(%dma_wait3A_109 : memref<128x256xf32, #tpu.memory_space<hbm>>) dst(%dma_wait3A_106 : memref<128x256xf32, #tpu.memory_space<vmem>>)
      %add3A_110 = arith.constant 1 : i32
      %add3A_111 = arith.addi %while3A_92, %add3A_110 : i32
      %lt3A = arith.cmpi slt, %add3A_111, %select_n3A_74 : i32
      %convert_element_type3A_112 = arith.extui %lt3A : i1 to i32
      %cond3A_113 = arith.constant 0 : i32
      %cond3A_114 = arith.cmpi ne, %convert_element_type3A_112, %cond3A_113 : i32
      scf.if %cond3A_114 {
        %add3A_132 = arith.constant 1 : i32
        %add3A_133 = arith.addi %while3A_92, %add3A_132 : i32
        %mul3A_134 = arith.constant 128 : i32
        %mul3A_135 = arith.muli %add3A_133, %mul3A_134 : i32
        %add3A_136 = arith.addi %shift_left3A_51, %mul3A_135 : i32
        %min3A_137 = arith.constant 49872 : i32
        %min3A_138 = arith.minsi %add3A_136, %min3A_137 : i32
        %multiple_of3A_139 = tpu.assume_multiple %min3A_138, 8 : i32
        %and3A_140 = arith.constant 1 : i32
        %and3A_141 = arith.andi %add3A_133, %and3A_140 : i32
        %mul3A_142 = arith.constant 128 : i32
        %mul3A_143 = arith.muli %and3A_141, %mul3A_142 : i32
        %multiple_of3A_144 = tpu.assume_multiple %mul3A_143, 8 : i32
        %and3A_145 = arith.constant 1 : i32
        %and3A_146 = arith.andi %add3A_133, %and3A_145 : i32
        %dma_start3A = arith.constant 0 : i32
        %dma_start3A_147 = tpu.memref_slice %arg7[%multiple_of3A_144, %dma_start3A] : memref<256x256xf32, #tpu.memory_space<vmem>> -> memref<128x256xf32, #tpu.memory_space<vmem>>
        %dma_start3A_148 = arith.constant 0 : i32
        %dma_start3A_149 = tpu.memref_slice %arg2[%multiple_of3A_139, %dma_start3A_148] : memref<50000x256xf32, #tpu.memory_space<hbm>> -> memref<128x256xf32, #tpu.memory_space<hbm>>
        %dma_start3A_150 = tpu.memref_slice %arg9[%and3A_146] : memref<2x!tpu.dma_semaphore, #tpu.memory_space<semaphore_mem>> -> memref<1x!tpu.dma_semaphore, #tpu.memory_space<semaphore_mem>>
        %dma_start3A_151 = tpu.memref_squeeze %dma_start3A_150 : memref<1x!tpu.dma_semaphore, #tpu.memory_space<semaphore_mem>> -> memref<!tpu.dma_semaphore, #tpu.memory_space<semaphore_mem>>
        %dma_start3A_152 = arith.constant 0 : i32
        %dma_start3A_153 = tpu.memref_slice %arg7[%multiple_of3A_144, %dma_start3A_152] : memref<256x256xf32, #tpu.memory_space<vmem>> -> memref<128x256xf32, #tpu.memory_space<vmem>>
        %dma_start3A_154 = arith.constant 0 : i32
        %dma_start3A_155 = tpu.memref_slice %arg2[%multiple_of3A_139, %dma_start3A_154] : memref<50000x256xf32, #tpu.memory_space<hbm>> -> memref<128x256xf32, #tpu.memory_space<hbm>>
        tpu.enqueue_dma source(%dma_start3A_155 : memref<128x256xf32, #tpu.memory_space<hbm>>) target(%dma_start3A_153 : memref<128x256xf32, #tpu.memory_space<vmem>>) target_semaphore(%dma_start3A_151 : memref<!tpu.dma_semaphore, #tpu.memory_space<semaphore_mem>>)
      } else {
      }
      %and3A_115 = arith.constant 1 : i32
      %and3A_116 = arith.andi %while3A_92, %and3A_115 : i32
      %mul3A_117 = arith.constant 128 : i32
      %mul3A_118 = arith.muli %and3A_116, %mul3A_117 : i32
      %multiple_of3A_119 = tpu.assume_multiple %mul3A_118, 8 : i32
      %mul3A_120 = arith.constant 128 : i32
      %mul3A_121 = arith.muli %while3A_92, %mul3A_120 : i32
      %add3A_122 = arith.addi %shift_left3A_51, %mul3A_121 : i32
      %min3A_123 = arith.constant 49872 : i32
      %min3A_124 = arith.minsi %add3A_122, %min3A_123 : i32
      %multiple_of3A_125 = tpu.assume_multiple %min3A_124, 8 : i32
      %scan3A_126 = arith.constant 0 : i32
      %scan3A_127 = arith.constant 0 : i32
      %scan3A_128 = arith.constant 4 : i32
      %scan3A_129 = arith.addi %scan3A_127, %scan3A_128 : i32
      %scan3A_130 = arith.constant 1 : i32
      scf.for %scan3A_132 = %scan3A_127 to %scan3A_129 step %scan3A_130  : i32 {
        %eq3A_133 = vector.broadcast %scan3A_132 : i32 to vector<16xi32>
        %eq3A_134 = arith.cmpi eq, %iota3A, %eq3A_133 : vector<16xi32>
        %jit3A_135 = arith.constant -1 : i32
        %broadcast_in_dim3A_136 = vector.broadcast %jit3A_135 : i32 to vector<16xi32>
        %select_n3A_137 = arith.select %eq3A_134, %scan3A_15#0, %broadcast_in_dim3A_136 : vector<16xi1>, vector<16xi32>
        %reduce_max3A_138 = arith.constant true
        %reduce_max3A_139 = vector.broadcast %reduce_max3A_138 : i1 to vector<16xi1>
        %reduce_max3A_140 = arith.constant -2147483648 : i32
        %reduce_max3A_141 = vector.broadcast %reduce_max3A_140 : i32 to vector<16xi32>
        %reduce_max3A_142 = arith.xori %select_n3A_137, %reduce_max3A_141 : vector<16xi32>
        %reduce_max3A_143 = tpu.scan <max>, %reduce_max3A_142 masked %reduce_max3A_139 : vector<16xi32>, vector<16xi1> -> vector<16xi32>
        %reduce_max3A_144 = arith.xori %reduce_max3A_143, %reduce_max3A_141 : vector<16xi32>
        %reduce_max3A_145 = vector.extract %reduce_max3A_144[15] : i32 from vector<16xi32>
        %add3A_146 = arith.constant 1 : i32
        %add3A_147 = arith.addi %scan3A_132, %add3A_146 : i32
        %eq3A_148 = vector.broadcast %add3A_147 : i32 to vector<16xi32>
        %eq3A_149 = arith.cmpi eq, %iota3A, %eq3A_148 : vector<16xi32>
        %jit3A_150 = arith.constant -1 : i32
        %broadcast_in_dim3A_151 = vector.broadcast %jit3A_150 : i32 to vector<16xi32>
        %select_n3A_152 = arith.select %eq3A_149, %scan3A_15#0, %broadcast_in_dim3A_151 : vector<16xi1>, vector<16xi32>
        %reduce_max3A_153 = arith.constant true
        %reduce_max3A_154 = vector.broadcast %reduce_max3A_153 : i1 to vector<16xi1>
        %reduce_max3A_155 = arith.constant -2147483648 : i32
        %reduce_max3A_156 = vector.broadcast %reduce_max3A_155 : i32 to vector<16xi32>
        %reduce_max3A_157 = arith.xori %select_n3A_152, %reduce_max3A_156 : vector<16xi32>
        %reduce_max3A_158 = tpu.scan <max>, %reduce_max3A_157 masked %reduce_max3A_154 : vector<16xi32>, vector<16xi1> -> vector<16xi32>
        %reduce_max3A_159 = arith.xori %reduce_max3A_158, %reduce_max3A_156 : vector<16xi32>
        %reduce_max3A_160 = vector.extract %reduce_max3A_159[15] : i32 from vector<16xi32>
        %sub3A_161 = arith.subi %reduce_max3A_145, %multiple_of3A_125 : i32
        %jit3A_162 = arith.constant 0 : i32
        %jit3A_163 = arith.constant 128 : i32
        %max3A = arith.maxsi %jit3A_162, %sub3A_161 : i32
        %min3A_164 = arith.minsi %jit3A_163, %max3A : i32
        %sub3A_165 = arith.subi %reduce_max3A_160, %multiple_of3A_125 : i32
        %jit3A_166 = arith.constant 0 : i32
        %jit3A_167 = arith.constant 128 : i32
        %max3A_168 = arith.maxsi %jit3A_166, %sub3A_165 : i32
        %min3A_169 = arith.minsi %jit3A_167, %max3A_168 : i32
        %mul3A_170 = arith.constant 256 : i32
        %mul3A_171 = arith.muli %scan3A_132, %mul3A_170 : i32
        %multiple_of3A_172 = tpu.assume_multiple %mul3A_171, 16 : i32
        %add3A_173 = arith.constant 0 : i32
        %add3A_174 = arith.addi %multiple_of3A_172, %add3A_173 : i32
        %get3A = arith.index_cast %add3A_174 : i32 to index
        %get3A_175 = tpu.vector_load %arg8[%get3A] {strides = array<i32>} : memref<1024xf32, #tpu.memory_space<vmem>>, vector<16xf32>,
        %add3A_176 = arith.constant 16 : i32
        %add3A_177 = arith.addi %multiple_of3A_172, %add3A_176 : i32
        %get3A_178 = arith.index_cast %add3A_177 : i32 to index
        %get3A_179 = tpu.vector_load %arg8[%get3A_178] {strides = array<i32>} : memref<1024xf32, #tpu.memory_space<vmem>>, vector<16xf32>,
        %add3A_180 = arith.constant 32 : i32
        %add3A_181 = arith.addi %multiple_of3A_172, %add3A_180 : i32
        %get3A_182 = arith.index_cast %add3A_181 : i32 to index
        %get3A_183 = tpu.vector_load %arg8[%get3A_182] {strides = array<i32>} : memref<1024xf32, #tpu.memory_space<vmem>>, vector<16xf32>,
        %add3A_184 = arith.constant 48 : i32
        %add3A_185 = arith.addi %multiple_of3A_172, %add3A_184 : i32
        %get3A_186 = arith.index_cast %add3A_185 : i32 to index
        %get3A_187 = tpu.vector_load %arg8[%get3A_186] {strides = array<i32>} : memref<1024xf32, #tpu.memory_space<vmem>>, vector<16xf32>,
        %add3A_188 = arith.constant 64 : i32
        %add3A_189 = arith.addi %multiple_of3A_172, %add3A_188 : i32
        %get3A_190 = arith.index_cast %add3A_189 : i32 to index
        %get3A_191 = tpu.vector_load %arg8[%get3A_190] {strides = array<i32>} : memref<1024xf32, #tpu.memory_space<vmem>>, vector<16xf32>,
        %add3A_192 = arith.constant 80 : i32
        %add3A_193 = arith.addi %multiple_of3A_172, %add3A_192 : i32
        %get3A_194 = arith.index_cast %add3A_193 : i32 to index
        %get3A_195 = tpu.vector_load %arg8[%get3A_194] {strides = array<i32>} : memref<1024xf32, #tpu.memory_space<vmem>>, vector<16xf32>,
        %add3A_196 = arith.constant 96 : i32
        %add3A_197 = arith.addi %multiple_of3A_172, %add3A_196 : i32
        %get3A_198 = arith.index_cast %add3A_197 : i32 to index
        %get3A_199 = tpu.vector_load %arg8[%get3A_198] {strides = array<i32>} : memref<1024xf32, #tpu.memory_space<vmem>>, vector<16xf32>,
        %add3A_200 = arith.constant 112 : i32
        %add3A_201 = arith.addi %multiple_of3A_172, %add3A_200 : i32
        %get3A_202 = arith.index_cast %add3A_201 : i32 to index
        %get3A_203 = tpu.vector_load %arg8[%get3A_202] {strides = array<i32>} : memref<1024xf32, #tpu.memory_space<vmem>>, vector<16xf32>,
        %add3A_204 = arith.constant 128 : i32
        %add3A_205 = arith.addi %multiple_of3A_172, %add3A_204 : i32
        %get3A_206 = arith.index_cast %add3A_205 : i32 to index
        %get3A_207 = tpu.vector_load %arg8[%get3A_206] {strides = array<i32>} : memref<1024xf32, #tpu.memory_space<vmem>>, vector<16xf32>,
        %add3A_208 = arith.constant 144 : i32
        %add3A_209 = arith.addi %multiple_of3A_172, %add3A_208 : i32
        %get3A_210 = arith.index_cast %add3A_209 : i32 to index
        %get3A_211 = tpu.vector_load %arg8[%get3A_210] {strides = array<i32>} : memref<1024xf32, #tpu.memory_space<vmem>>, vector<16xf32>,
        %add3A_212 = arith.constant 160 : i32
        %add3A_213 = arith.addi %multiple_of3A_172, %add3A_212 : i32
        %get3A_214 = arith.index_cast %add3A_213 : i32 to index
        %get3A_215 = tpu.vector_load %arg8[%get3A_214] {strides = array<i32>} : memref<1024xf32, #tpu.memory_space<vmem>>, vector<16xf32>,
        %add3A_216 = arith.constant 176 : i32
        %add3A_217 = arith.addi %multiple_of3A_172, %add3A_216 : i32
        %get3A_218 = arith.index_cast %add3A_217 : i32 to index
        %get3A_219 = tpu.vector_load %arg8[%get3A_218] {strides = array<i32>} : memref<1024xf32, #tpu.memory_space<vmem>>, vector<16xf32>,
        %add3A_220 = arith.constant 192 : i32
        %add3A_221 = arith.addi %multiple_of3A_172, %add3A_220 : i32
        %get3A_222 = arith.index_cast %add3A_221 : i32 to index
        %get3A_223 = tpu.vector_load %arg8[%get3A_222] {strides = array<i32>} : memref<1024xf32, #tpu.memory_space<vmem>>, vector<16xf32>,
        %add3A_224 = arith.constant 208 : i32
        %add3A_225 = arith.addi %multiple_of3A_172, %add3A_224 : i32
        %get3A_226 = arith.index_cast %add3A_225 : i32 to index
        %get3A_227 = tpu.vector_load %arg8[%get3A_226] {strides = array<i32>} : memref<1024xf32, #tpu.memory_space<vmem>>, vector<16xf32>,
        %add3A_228 = arith.constant 224 : i32
        %add3A_229 = arith.addi %multiple_of3A_172, %add3A_228 : i32
        %get3A_230 = arith.index_cast %add3A_229 : i32 to index
        %get3A_231 = tpu.vector_load %arg8[%get3A_230] {strides = array<i32>} : memref<1024xf32, #tpu.memory_space<vmem>>, vector<16xf32>,
        %add3A_232 = arith.constant 240 : i32
        %add3A_233 = arith.addi %multiple_of3A_172, %add3A_232 : i32
        %get3A_234 = arith.index_cast %add3A_233 : i32 to index
        %get3A_235 = tpu.vector_load %arg8[%get3A_234] {strides = array<i32>} : memref<1024xf32, #tpu.memory_space<vmem>>, vector<16xf32>,
        %while3A_236 = arith.subi %min3A_169, %min3A_164 : i32
        %while3A_237 = arith.addi %min3A_164, %while3A_236 : i32
        %while3A_238 = arith.constant 1 : i32
        %while3A_239 = arith.divsi %while3A_236, %while3A_238 : i32
        %while3A_240 = arith.muli %while3A_239, %while3A_238 : i32
        %while3A_241 = arith.addi %min3A_164, %while3A_240 : i32
        %while3A_242 = arith.constant 1 : i32
        %while3A_243:16 = scf.for %while3A_309 = %min3A_164 to %while3A_241 step %while3A_242 iter_args(%while3A_310 = %get3A_175, %while3A_311 = %get3A_179, %while3A_312 = %get3A_183, %while3A_313 = %get3A_187, %while3A_314 = %get3A_191, %while3A_315 = %get3A_195, %while3A_316 = %get3A_199, %while3A_317 = %get3A_203, %while3A_318 = %get3A_207, %while3A_319 = %get3A_211, %while3A_320 = %get3A_215, %while3A_321 = %get3A_219, %while3A_322 = %get3A_223, %while3A_323 = %get3A_227, %while3A_324 = %get3A_231, %while3A_325 = %get3A_235) -> (vector<16xf32>, vector<16xf32>, vector<16xf32>, vector<16xf32>, vector<16xf32>, vector<16xf32>, vector<16xf32>, vector<16xf32>, vector<16xf32>, vector<16xf32>, vector<16xf32>, vector<16xf32>, vector<16xf32>, vector<16xf32>, vector<16xf32>, vector<16xf32>)  : i32 {
          %add3A_326 = arith.addi %multiple_of3A_119, %while3A_309 : i32
          %get3A_327 = arith.index_cast %add3A_326 : i32 to index
          %get3A_328 = arith.constant 0 : index
          %get3A_329 = tpu.vector_load %arg7[%get3A_327, %get3A_328] {strides = array<i32>} : memref<256x256xf32, #tpu.memory_space<vmem>>, vector<16xf32>,
          %max3A_330 = arith.maximumf %while3A_310, %get3A_329 : vector<16xf32>
          %add3A_331 = arith.addi %multiple_of3A_119, %while3A_309 : i32
          %get3A_332 = arith.index_cast %add3A_331 : i32 to index
          %get3A_333 = arith.constant 16 : index
          %get3A_334 = tpu.vector_load %arg7[%get3A_332, %get3A_333] {strides = array<i32>} : memref<256x256xf32, #tpu.memory_space<vmem>>, vector<16xf32>,
          %max3A_335 = arith.maximumf %while3A_311, %get3A_334 : vector<16xf32>
          %add3A_336 = arith.addi %multiple_of3A_119, %while3A_309 : i32
          %get3A_337 = arith.index_cast %add3A_336 : i32 to index
          %get3A_338 = arith.constant 32 : index
          %get3A_339 = tpu.vector_load %arg7[%get3A_337, %get3A_338] {strides = array<i32>} : memref<256x256xf32, #tpu.memory_space<vmem>>, vector<16xf32>,
          %max3A_340 = arith.maximumf %while3A_312, %get3A_339 : vector<16xf32>
          %add3A_341 = arith.addi %multiple_of3A_119, %while3A_309 : i32
          %get3A_342 = arith.index_cast %add3A_341 : i32 to index
          %get3A_343 = arith.constant 48 : index
          %get3A_344 = tpu.vector_load %arg7[%get3A_342, %get3A_343] {strides = array<i32>} : memref<256x256xf32, #tpu.memory_space<vmem>>, vector<16xf32>,
          %max3A_345 = arith.maximumf %while3A_313, %get3A_344 : vector<16xf32>
          %add3A_346 = arith.addi %multiple_of3A_119, %while3A_309 : i32
          %get3A_347 = arith.index_cast %add3A_346 : i32 to index
          %get3A_348 = arith.constant 64 : index
          %get3A_349 = tpu.vector_load %arg7[%get3A_347, %get3A_348] {strides = array<i32>} : memref<256x256xf32, #tpu.memory_space<vmem>>, vector<16xf32>,
          %max3A_350 = arith.maximumf %while3A_314, %get3A_349 : vector<16xf32>
          %add3A_351 = arith.addi %multiple_of3A_119, %while3A_309 : i32
          %get3A_352 = arith.index_cast %add3A_351 : i32 to index
          %get3A_353 = arith.constant 80 : index
          %get3A_354 = tpu.vector_load %arg7[%get3A_352, %get3A_353] {strides = array<i32>} : memref<256x256xf32, #tpu.memory_space<vmem>>, vector<16xf32>,
          %max3A_355 = arith.maximumf %while3A_315, %get3A_354 : vector<16xf32>
          %add3A_356 = arith.addi %multiple_of3A_119, %while3A_309 : i32
          %get3A_357 = arith.index_cast %add3A_356 : i32 to index
          %get3A_358 = arith.constant 96 : index
          %get3A_359 = tpu.vector_load %arg7[%get3A_357, %get3A_358] {strides = array<i32>} : memref<256x256xf32, #tpu.memory_space<vmem>>, vector<16xf32>,
          %max3A_360 = arith.maximumf %while3A_316, %get3A_359 : vector<16xf32>
          %add3A_361 = arith.addi %multiple_of3A_119, %while3A_309 : i32
          %get3A_362 = arith.index_cast %add3A_361 : i32 to index
          %get3A_363 = arith.constant 112 : index
          %get3A_364 = tpu.vector_load %arg7[%get3A_362, %get3A_363] {strides = array<i32>} : memref<256x256xf32, #tpu.memory_space<vmem>>, vector<16xf32>,
          %max3A_365 = arith.maximumf %while3A_317, %get3A_364 : vector<16xf32>
          %add3A_366 = arith.addi %multiple_of3A_119, %while3A_309 : i32
          %get3A_367 = arith.index_cast %add3A_366 : i32 to index
          %get3A_368 = arith.constant 128 : index
          %get3A_369 = tpu.vector_load %arg7[%get3A_367, %get3A_368] {strides = array<i32>} : memref<256x256xf32, #tpu.memory_space<vmem>>, vector<16xf32>,
          %max3A_370 = arith.maximumf %while3A_318, %get3A_369 : vector<16xf32>
          %add3A_371 = arith.addi %multiple_of3A_119, %while3A_309 : i32
          %get3A_372 = arith.index_cast %add3A_371 : i32 to index
          %get3A_373 = arith.constant 144 : index
          %get3A_374 = tpu.vector_load %arg7[%get3A_372, %get3A_373] {strides = array<i32>} : memref<256x256xf32, #tpu.memory_space<vmem>>, vector<16xf32>,
          %max3A_375 = arith.maximumf %while3A_319, %get3A_374 : vector<16xf32>
          %add3A_376 = arith.addi %multiple_of3A_119, %while3A_309 : i32
          %get3A_377 = arith.index_cast %add3A_376 : i32 to index
          %get3A_378 = arith.constant 160 : index
          %get3A_379 = tpu.vector_load %arg7[%get3A_377, %get3A_378] {strides = array<i32>} : memref<256x256xf32, #tpu.memory_space<vmem>>, vector<16xf32>,
          %max3A_380 = arith.maximumf %while3A_320, %get3A_379 : vector<16xf32>
          %add3A_381 = arith.addi %multiple_of3A_119, %while3A_309 : i32
          %get3A_382 = arith.index_cast %add3A_381 : i32 to index
          %get3A_383 = arith.constant 176 : index
          %get3A_384 = tpu.vector_load %arg7[%get3A_382, %get3A_383] {strides = array<i32>} : memref<256x256xf32, #tpu.memory_space<vmem>>, vector<16xf32>,
          %max3A_385 = arith.maximumf %while3A_321, %get3A_384 : vector<16xf32>
          %add3A_386 = arith.addi %multiple_of3A_119, %while3A_309 : i32
          %get3A_387 = arith.index_cast %add3A_386 : i32 to index
          %get3A_388 = arith.constant 192 : index
          %get3A_389 = tpu.vector_load %arg7[%get3A_387, %get3A_388] {strides = array<i32>} : memref<256x256xf32, #tpu.memory_space<vmem>>, vector<16xf32>,
          %max3A_390 = arith.maximumf %while3A_322, %get3A_389 : vector<16xf32>
          %add3A_391 = arith.addi %multiple_of3A_119, %while3A_309 : i32
          %get3A_392 = arith.index_cast %add3A_391 : i32 to index
          %get3A_393 = arith.constant 208 : index
          %get3A_394 = tpu.vector_load %arg7[%get3A_392, %get3A_393] {strides = array<i32>} : memref<256x256xf32, #tpu.memory_space<vmem>>, vector<16xf32>,
          %max3A_395 = arith.maximumf %while3A_323, %get3A_394 : vector<16xf32>
          %add3A_396 = arith.addi %multiple_of3A_119, %while3A_309 : i32
          %get3A_397 = arith.index_cast %add3A_396 : i32 to index
          %get3A_398 = arith.constant 224 : index
          %get3A_399 = tpu.vector_load %arg7[%get3A_397, %get3A_398] {strides = array<i32>} : memref<256x256xf32, #tpu.memory_space<vmem>>, vector<16xf32>,
          %max3A_400 = arith.maximumf %while3A_324, %get3A_399 : vector<16xf32>
          %add3A_401 = arith.addi %multiple_of3A_119, %while3A_309 : i32
          %get3A_402 = arith.index_cast %add3A_401 : i32 to index
          %get3A_403 = arith.constant 240 : index
          %get3A_404 = tpu.vector_load %arg7[%get3A_402, %get3A_403] {strides = array<i32>} : memref<256x256xf32, #tpu.memory_space<vmem>>, vector<16xf32>,
          %max3A_405 = arith.maximumf %while3A_325, %get3A_404 : vector<16xf32>
          scf.yield %max3A_330, %max3A_335, %max3A_340, %max3A_345, %max3A_350, %max3A_355, %max3A_360, %max3A_365, %max3A_370, %max3A_375, %max3A_380, %max3A_385, %max3A_390, %max3A_395, %max3A_400, %max3A_405 : vector<16xf32>, vector<16xf32>, vector<16xf32>, vector<16xf32>, vector<16xf32>, vector<16xf32>, vector<16xf32>, vector<16xf32>, vector<16xf32>, vector<16xf32>, vector<16xf32>, vector<16xf32>, vector<16xf32>, vector<16xf32>, vector<16xf32>, vector<16xf32>
        }
        %while3A_244 = arith.constant 1 : i32
        %while3A_245:16 = scf.for %while3A_309 = %while3A_241 to %while3A_237 step %while3A_244 iter_args(%while3A_310 = %while3A_243#0, %while3A_311 = %while3A_243#1, %while3A_312 = %while3A_243#2, %while3A_313 = %while3A_243#3, %while3A_314 = %while3A_243#4, %while3A_315 = %while3A_243#5, %while3A_316 = %while3A_243#6, %while3A_317 = %while3A_243#7, %while3A_318 = %while3A_243#8, %while3A_319 = %while3A_243#9, %while3A_320 = %while3A_243#10, %while3A_321 = %while3A_243#11, %while3A_322 = %while3A_243#12, %while3A_323 = %while3A_243#13, %while3A_324 = %while3A_243#14, %while3A_325 = %while3A_243#15) -> (vector<16xf32>, vector<16xf32>, vector<16xf32>, vector<16xf32>, vector<16xf32>, vector<16xf32>, vector<16xf32>, vector<16xf32>, vector<16xf32>, vector<16xf32>, vector<16xf32>, vector<16xf32>, vector<16xf32>, vector<16xf32>, vector<16xf32>, vector<16xf32>)  : i32 {
          %add3A_326 = arith.addi %multiple_of3A_119, %while3A_309 : i32
          %get3A_327 = arith.index_cast %add3A_326 : i32 to index
          %get3A_328 = arith.constant 0 : index
          %get3A_329 = tpu.vector_load %arg7[%get3A_327, %get3A_328] {strides = array<i32>} : memref<256x256xf32, #tpu.memory_space<vmem>>, vector<16xf32>,
          %max3A_330 = arith.maximumf %while3A_310, %get3A_329 : vector<16xf32>
          %add3A_331 = arith.addi %multiple_of3A_119, %while3A_309 : i32
          %get3A_332 = arith.index_cast %add3A_331 : i32 to index
          %get3A_333 = arith.constant 16 : index
          %get3A_334 = tpu.vector_load %arg7[%get3A_332, %get3A_333] {strides = array<i32>} : memref<256x256xf32, #tpu.memory_space<vmem>>, vector<16xf32>,
          %max3A_335 = arith.maximumf %while3A_311, %get3A_334 : vector<16xf32>
          %add3A_336 = arith.addi %multiple_of3A_119, %while3A_309 : i32
          %get3A_337 = arith.index_cast %add3A_336 : i32 to index
          %get3A_338 = arith.constant 32 : index
          %get3A_339 = tpu.vector_load %arg7[%get3A_337, %get3A_338] {strides = array<i32>} : memref<256x256xf32, #tpu.memory_space<vmem>>, vector<16xf32>,
          %max3A_340 = arith.maximumf %while3A_312, %get3A_339 : vector<16xf32>
          %add3A_341 = arith.addi %multiple_of3A_119, %while3A_309 : i32
          %get3A_342 = arith.index_cast %add3A_341 : i32 to index
          %get3A_343 = arith.constant 48 : index
          %get3A_344 = tpu.vector_load %arg7[%get3A_342, %get3A_343] {strides = array<i32>} : memref<256x256xf32, #tpu.memory_space<vmem>>, vector<16xf32>,
          %max3A_345 = arith.maximumf %while3A_313, %get3A_344 : vector<16xf32>
          %add3A_346 = arith.addi %multiple_of3A_119, %while3A_309 : i32
          %get3A_347 = arith.index_cast %add3A_346 : i32 to index
          %get3A_348 = arith.constant 64 : index
          %get3A_349 = tpu.vector_load %arg7[%get3A_347, %get3A_348] {strides = array<i32>} : memref<256x256xf32, #tpu.memory_space<vmem>>, vector<16xf32>,
          %max3A_350 = arith.maximumf %while3A_314, %get3A_349 : vector<16xf32>
          %add3A_351 = arith.addi %multiple_of3A_119, %while3A_309 : i32
          %get3A_352 = arith.index_cast %add3A_351 : i32 to index
          %get3A_353 = arith.constant 80 : index
          %get3A_354 = tpu.vector_load %arg7[%get3A_352, %get3A_353] {strides = array<i32>} : memref<256x256xf32, #tpu.memory_space<vmem>>, vector<16xf32>,
          %max3A_355 = arith.maximumf %while3A_315, %get3A_354 : vector<16xf32>
          %add3A_356 = arith.addi %multiple_of3A_119, %while3A_309 : i32
          %get3A_357 = arith.index_cast %add3A_356 : i32 to index
          %get3A_358 = arith.constant 96 : index
          %get3A_359 = tpu.vector_load %arg7[%get3A_357, %get3A_358] {strides = array<i32>} : memref<256x256xf32, #tpu.memory_space<vmem>>, vector<16xf32>,
          %max3A_360 = arith.maximumf %while3A_316, %get3A_359 : vector<16xf32>
          %add3A_361 = arith.addi %multiple_of3A_119, %while3A_309 : i32
          %get3A_362 = arith.index_cast %add3A_361 : i32 to index
          %get3A_363 = arith.constant 112 : index
          %get3A_364 = tpu.vector_load %arg7[%get3A_362, %get3A_363] {strides = array<i32>} : memref<256x256xf32, #tpu.memory_space<vmem>>, vector<16xf32>,
          %max3A_365 = arith.maximumf %while3A_317, %get3A_364 : vector<16xf32>
          %add3A_366 = arith.addi %multiple_of3A_119, %while3A_309 : i32
          %get3A_367 = arith.index_cast %add3A_366 : i32 to index
          %get3A_368 = arith.constant 128 : index
          %get3A_369 = tpu.vector_load %arg7[%get3A_367, %get3A_368] {strides = array<i32>} : memref<256x256xf32, #tpu.memory_space<vmem>>, vector<16xf32>,
          %max3A_370 = arith.maximumf %while3A_318, %get3A_369 : vector<16xf32>
          %add3A_371 = arith.addi %multiple_of3A_119, %while3A_309 : i32
          %get3A_372 = arith.index_cast %add3A_371 : i32 to index
          %get3A_373 = arith.constant 144 : index
          %get3A_374 = tpu.vector_load %arg7[%get3A_372, %get3A_373] {strides = array<i32>} : memref<256x256xf32, #tpu.memory_space<vmem>>, vector<16xf32>,
          %max3A_375 = arith.maximumf %while3A_319, %get3A_374 : vector<16xf32>
          %add3A_376 = arith.addi %multiple_of3A_119, %while3A_309 : i32
          %get3A_377 = arith.index_cast %add3A_376 : i32 to index
          %get3A_378 = arith.constant 160 : index
          %get3A_379 = tpu.vector_load %arg7[%get3A_377, %get3A_378] {strides = array<i32>} : memref<256x256xf32, #tpu.memory_space<vmem>>, vector<16xf32>,
          %max3A_380 = arith.maximumf %while3A_320, %get3A_379 : vector<16xf32>
          %add3A_381 = arith.addi %multiple_of3A_119, %while3A_309 : i32
          %get3A_382 = arith.index_cast %add3A_381 : i32 to index
          %get3A_383 = arith.constant 176 : index
          %get3A_384 = tpu.vector_load %arg7[%get3A_382, %get3A_383] {strides = array<i32>} : memref<256x256xf32, #tpu.memory_space<vmem>>, vector<16xf32>,
          %max3A_385 = arith.maximumf %while3A_321, %get3A_384 : vector<16xf32>
          %add3A_386 = arith.addi %multiple_of3A_119, %while3A_309 : i32
          %get3A_387 = arith.index_cast %add3A_386 : i32 to index
          %get3A_388 = arith.constant 192 : index
          %get3A_389 = tpu.vector_load %arg7[%get3A_387, %get3A_388] {strides = array<i32>} : memref<256x256xf32, #tpu.memory_space<vmem>>, vector<16xf32>,
          %max3A_390 = arith.maximumf %while3A_322, %get3A_389 : vector<16xf32>
          %add3A_391 = arith.addi %multiple_of3A_119, %while3A_309 : i32
          %get3A_392 = arith.index_cast %add3A_391 : i32 to index
          %get3A_393 = arith.constant 208 : index
          %get3A_394 = tpu.vector_load %arg7[%get3A_392, %get3A_393] {strides = array<i32>} : memref<256x256xf32, #tpu.memory_space<vmem>>, vector<16xf32>,
          %max3A_395 = arith.maximumf %while3A_323, %get3A_394 : vector<16xf32>
          %add3A_396 = arith.addi %multiple_of3A_119, %while3A_309 : i32
          %get3A_397 = arith.index_cast %add3A_396 : i32 to index
          %get3A_398 = arith.constant 224 : index
          %get3A_399 = tpu.vector_load %arg7[%get3A_397, %get3A_398] {strides = array<i32>} : memref<256x256xf32, #tpu.memory_space<vmem>>, vector<16xf32>,
          %max3A_400 = arith.maximumf %while3A_324, %get3A_399 : vector<16xf32>
          %add3A_401 = arith.addi %multiple_of3A_119, %while3A_309 : i32
          %get3A_402 = arith.index_cast %add3A_401 : i32 to index
          %get3A_403 = arith.constant 240 : index
          %get3A_404 = tpu.vector_load %arg7[%get3A_402, %get3A_403] {strides = array<i32>} : memref<256x256xf32, #tpu.memory_space<vmem>>, vector<16xf32>,
          %max3A_405 = arith.maximumf %while3A_325, %get3A_404 : vector<16xf32>
          scf.yield %max3A_330, %max3A_335, %max3A_340, %max3A_345, %max3A_350, %max3A_355, %max3A_360, %max3A_365, %max3A_370, %max3A_375, %max3A_380, %max3A_385, %max3A_390, %max3A_395, %max3A_400, %max3A_405 : vector<16xf32>, vector<16xf32>, vector<16xf32>, vector<16xf32>, vector<16xf32>, vector<16xf32>, vector<16xf32>, vector<16xf32>, vector<16xf32>, vector<16xf32>, vector<16xf32>, vector<16xf32>, vector<16xf32>, vector<16xf32>, vector<16xf32>, vector<16xf32>
        }
        %add3A_246 = arith.constant 0 : i32
        %add3A_247 = arith.addi %multiple_of3A_172, %add3A_246 : i32
        %swap3A = arith.index_cast %add3A_247 : i32 to index
        %swap3A_248 = tpu.vector_load %arg8[%swap3A] {strides = array<i32>} : memref<1024xf32, #tpu.memory_space<vmem>>, vector<16xf32>,
        tpu.vector_store %arg8[%swap3A], %while3A_245#0 {strides = array<i32>} : memref<1024xf32, #tpu.memory_space<vmem>>, vector<16xf32>,
        %add3A_249 = arith.constant 16 : i32
        %add3A_250 = arith.addi %multiple_of3A_172, %add3A_249 : i32
        %swap3A_251 = arith.index_cast %add3A_250 : i32 to index
        %swap3A_252 = tpu.vector_load %arg8[%swap3A_251] {strides = array<i32>} : memref<1024xf32, #tpu.memory_space<vmem>>, vector<16xf32>,
        tpu.vector_store %arg8[%swap3A_251], %while3A_245#1 {strides = array<i32>} : memref<1024xf32, #tpu.memory_space<vmem>>, vector<16xf32>,
        %add3A_253 = arith.constant 32 : i32
        %add3A_254 = arith.addi %multiple_of3A_172, %add3A_253 : i32
        %swap3A_255 = arith.index_cast %add3A_254 : i32 to index
        %swap3A_256 = tpu.vector_load %arg8[%swap3A_255] {strides = array<i32>} : memref<1024xf32, #tpu.memory_space<vmem>>, vector<16xf32>,
        tpu.vector_store %arg8[%swap3A_255], %while3A_245#2 {strides = array<i32>} : memref<1024xf32, #tpu.memory_space<vmem>>, vector<16xf32>,
        %add3A_257 = arith.constant 48 : i32
        %add3A_258 = arith.addi %multiple_of3A_172, %add3A_257 : i32
        %swap3A_259 = arith.index_cast %add3A_258 : i32 to index
        %swap3A_260 = tpu.vector_load %arg8[%swap3A_259] {strides = array<i32>} : memref<1024xf32, #tpu.memory_space<vmem>>, vector<16xf32>,
        tpu.vector_store %arg8[%swap3A_259], %while3A_245#3 {strides = array<i32>} : memref<1024xf32, #tpu.memory_space<vmem>>, vector<16xf32>,
        %add3A_261 = arith.constant 64 : i32
        %add3A_262 = arith.addi %multiple_of3A_172, %add3A_261 : i32
        %swap3A_263 = arith.index_cast %add3A_262 : i32 to index
        %swap3A_264 = tpu.vector_load %arg8[%swap3A_263] {strides = array<i32>} : memref<1024xf32, #tpu.memory_space<vmem>>, vector<16xf32>,
        tpu.vector_store %arg8[%swap3A_263], %while3A_245#4 {strides = array<i32>} : memref<1024xf32, #tpu.memory_space<vmem>>, vector<16xf32>,
        %add3A_265 = arith.constant 80 : i32
        %add3A_266 = arith.addi %multiple_of3A_172, %add3A_265 : i32
        %swap3A_267 = arith.index_cast %add3A_266 : i32 to index
        %swap3A_268 = tpu.vector_load %arg8[%swap3A_267] {strides = array<i32>} : memref<1024xf32, #tpu.memory_space<vmem>>, vector<16xf32>,
        tpu.vector_store %arg8[%swap3A_267], %while3A_245#5 {strides = array<i32>} : memref<1024xf32, #tpu.memory_space<vmem>>, vector<16xf32>,
        %add3A_269 = arith.constant 96 : i32
        %add3A_270 = arith.addi %multiple_of3A_172, %add3A_269 : i32
        %swap3A_271 = arith.index_cast %add3A_270 : i32 to index
        %swap3A_272 = tpu.vector_load %arg8[%swap3A_271] {strides = array<i32>} : memref<1024xf32, #tpu.memory_space<vmem>>, vector<16xf32>,
        tpu.vector_store %arg8[%swap3A_271], %while3A_245#6 {strides = array<i32>} : memref<1024xf32, #tpu.memory_space<vmem>>, vector<16xf32>,
        %add3A_273 = arith.constant 112 : i32
        %add3A_274 = arith.addi %multiple_of3A_172, %add3A_273 : i32
        %swap3A_275 = arith.index_cast %add3A_274 : i32 to index
        %swap3A_276 = tpu.vector_load %arg8[%swap3A_275] {strides = array<i32>} : memref<1024xf32, #tpu.memory_space<vmem>>, vector<16xf32>,
        tpu.vector_store %arg8[%swap3A_275], %while3A_245#7 {strides = array<i32>} : memref<1024xf32, #tpu.memory_space<vmem>>, vector<16xf32>,
        %add3A_277 = arith.constant 128 : i32
        %add3A_278 = arith.addi %multiple_of3A_172, %add3A_277 : i32
        %swap3A_279 = arith.index_cast %add3A_278 : i32 to index
        %swap3A_280 = tpu.vector_load %arg8[%swap3A_279] {strides = array<i32>} : memref<1024xf32, #tpu.memory_space<vmem>>, vector<16xf32>,
        tpu.vector_store %arg8[%swap3A_279], %while3A_245#8 {strides = array<i32>} : memref<1024xf32, #tpu.memory_space<vmem>>, vector<16xf32>,
        %add3A_281 = arith.constant 144 : i32
        %add3A_282 = arith.addi %multiple_of3A_172, %add3A_281 : i32
        %swap3A_283 = arith.index_cast %add3A_282 : i32 to index
        %swap3A_284 = tpu.vector_load %arg8[%swap3A_283] {strides = array<i32>} : memref<1024xf32, #tpu.memory_space<vmem>>, vector<16xf32>,
        tpu.vector_store %arg8[%swap3A_283], %while3A_245#9 {strides = array<i32>} : memref<1024xf32, #tpu.memory_space<vmem>>, vector<16xf32>,
        %add3A_285 = arith.constant 160 : i32
        %add3A_286 = arith.addi %multiple_of3A_172, %add3A_285 : i32
        %swap3A_287 = arith.index_cast %add3A_286 : i32 to index
        %swap3A_288 = tpu.vector_load %arg8[%swap3A_287] {strides = array<i32>} : memref<1024xf32, #tpu.memory_space<vmem>>, vector<16xf32>,
        tpu.vector_store %arg8[%swap3A_287], %while3A_245#10 {strides = array<i32>} : memref<1024xf32, #tpu.memory_space<vmem>>, vector<16xf32>,
        %add3A_289 = arith.constant 176 : i32
        %add3A_290 = arith.addi %multiple_of3A_172, %add3A_289 : i32
        %swap3A_291 = arith.index_cast %add3A_290 : i32 to index
        %swap3A_292 = tpu.vector_load %arg8[%swap3A_291] {strides = array<i32>} : memref<1024xf32, #tpu.memory_space<vmem>>, vector<16xf32>,
        tpu.vector_store %arg8[%swap3A_291], %while3A_245#11 {strides = array<i32>} : memref<1024xf32, #tpu.memory_space<vmem>>, vector<16xf32>,
        %add3A_293 = arith.constant 192 : i32
        %add3A_294 = arith.addi %multiple_of3A_172, %add3A_293 : i32
        %swap3A_295 = arith.index_cast %add3A_294 : i32 to index
        %swap3A_296 = tpu.vector_load %arg8[%swap3A_295] {strides = array<i32>} : memref<1024xf32, #tpu.memory_space<vmem>>, vector<16xf32>,
        tpu.vector_store %arg8[%swap3A_295], %while3A_245#12 {strides = array<i32>} : memref<1024xf32, #tpu.memory_space<vmem>>, vector<16xf32>,
        %add3A_297 = arith.constant 208 : i32
        %add3A_298 = arith.addi %multiple_of3A_172, %add3A_297 : i32
        %swap3A_299 = arith.index_cast %add3A_298 : i32 to index
        %swap3A_300 = tpu.vector_load %arg8[%swap3A_299] {strides = array<i32>} : memref<1024xf32, #tpu.memory_space<vmem>>, vector<16xf32>,
        tpu.vector_store %arg8[%swap3A_299], %while3A_245#13 {strides = array<i32>} : memref<1024xf32, #tpu.memory_space<vmem>>, vector<16xf32>,
        %add3A_301 = arith.constant 224 : i32
        %add3A_302 = arith.addi %multiple_of3A_172, %add3A_301 : i32
        %swap3A_303 = arith.index_cast %add3A_302 : i32 to index
        %swap3A_304 = tpu.vector_load %arg8[%swap3A_303] {strides = array<i32>} : memref<1024xf32, #tpu.memory_space<vmem>>, vector<16xf32>,
        tpu.vector_store %arg8[%swap3A_303], %while3A_245#14 {strides = array<i32>} : memref<1024xf32, #tpu.memory_space<vmem>>, vector<16xf32>,
        %add3A_305 = arith.constant 240 : i32
        %add3A_306 = arith.addi %multiple_of3A_172, %add3A_305 : i32
        %swap3A_307 = arith.index_cast %add3A_306 : i32 to index
        %swap3A_308 = tpu.vector_load %arg8[%swap3A_307] {strides = array<i32>} : memref<1024xf32, #tpu.memory_space<vmem>>, vector<16xf32>,
        tpu.vector_store %arg8[%swap3A_307], %while3A_245#15 {strides = array<i32>} : memref<1024xf32, #tpu.memory_space<vmem>>, vector<16xf32>,
      }
      %scan3A_131 = arith.constant 4 : i32
    }
    %mul3A_88 = arith.constant 4 : i32
    %mul3A_89 = arith.muli %add3A, %mul3A_88 : i32
    %mul3A_90 = arith.constant 256 : i32
    %mul3A_91 = arith.muli %mul3A_89, %mul3A_90 : i32
    "tpu.region"() ({
      %run_scoped3A = tpu.sem_alloc : memref<!tpu.dma_semaphore, #tpu.memory_space<semaphore_mem>>
      %dma_start3A = tpu.memref_slice %arg4[%mul3A_91] : memref<32768xf32, #tpu.memory_space<hbm>> -> memref<1024xf32, #tpu.memory_space<hbm>>
      %dma_start3A_92 = tpu.memref_slice %arg4[%mul3A_91] : memref<32768xf32, #tpu.memory_space<hbm>> -> memref<1024xf32, #tpu.memory_space<hbm>>
      tpu.enqueue_dma source(%arg8 : memref<1024xf32, #tpu.memory_space<vmem>>) target(%dma_start3A_92 : memref<1024xf32, #tpu.memory_space<hbm>>) target_semaphore(%run_scoped3A : memref<!tpu.dma_semaphore, #tpu.memory_space<semaphore_mem>>)
      %dma_wait3A = tpu.memref_slice %arg4[%mul3A_91] : memref<32768xf32, #tpu.memory_space<hbm>> -> memref<1024xf32, #tpu.memory_space<hbm>>
      %dma_wait3A_93 = tpu.memref_slice %arg4[%mul3A_91] : memref<32768xf32, #tpu.memory_space<hbm>> -> memref<1024xf32, #tpu.memory_space<hbm>>
      tpu.wait_dma2 semaphore(%run_scoped3A : memref<!tpu.dma_semaphore, #tpu.memory_space<semaphore_mem>>) src(%arg8 : memref<1024xf32, #tpu.memory_space<vmem>>) dst(%dma_wait3A_93 : memref<1024xf32, #tpu.memory_space<hbm>>)
      tpu.yield
    }) : () -> ()
    return
  }
}

</mosaic_0001>

<sc_bundles>
// kernel: _sc_segment_max.3.cloned.1.call-start
scs
__scs_entry_jumppad:
0x0: {  	(pc) =	sbr.rel $0x88, $3  }
0x1: {  	(tag) =	ssettag $0x0;
	lr =	simm.s32 $0x1  }
0x2: {  	[smem:$0x3F9F] =	sst lr;
	_ =	strace $0xD0000000  }
0x3: {  	_ = 	snop  }
0x4: {  	_ = 	snop  }
0x5: {  	_ = 	snop  }
0x6: {  	_ = 	snop  }
0x7: {  	_ = 	snop  }
__scs_overlays_trampoline_lowered:
0x8: {  	[smem:$0x3FAE] =	sst s0  }
0x9: {  	[smem:$0x3FAF] =	sst s1  }
0xa: {  	[smem:$0x3FB0] =	sst s2  }
0xb: {  	[smem:$0x3FB1] =	sst s3  }
0xc: {  	[smem:$0x3FB2] =	sst s4  }
0xd: {  	[smem:$0x3FB3] =	sst s5  }
0xe: {  	[smem:$0x3FB4] =	sst s6  }
0xf: {  	[smem:$0x3FB5] =	sst s7  }
0x10: {  	[smem:$0x3FB6] =	sst s8  }
0x11: {  	[smem:$0x3FB7] =	sst s9;
	s0 =	simm.s32 @!p0 $0x0  }
0x12: {  	s1 =	sld [smem:$0x3F9D];
	s0 =	simm.s32 @p0 $0x1  }
0x13: {  	[smem:$0x3FB8] =	sst s0;
	s0 =	simm.s32 @!p1 $0x0  }
0x14: {  	s2 =	sld [smem:$0x3F9C];
	s0 =	simm.s32 @p1 $0x1  }
0x15: {  	[smem:$0x3FB9] =	sst s0;
	s0 =	simm.s32 @!p2 $0x0  }
0x16: {  	s3 =	sld [smem:$0x3FDB];
	s0 =	simm.s32 @p2 $0x1  }
0x17: {  	s4 =	simm.s32 $0x1BF5;
	[smem:$0x3FBB] =	sst s0  }
0x18: {  	s0 =	sld [smem:$0x3F9E];
	_ =	swait.ge [sflag:s4], $0x0  }
0x19: {  	s7 =	sld [smem:$0x3F9F]  }
0x1a: {  	s8 =	sadd.s32 $0xFFFFE003, lr  }
0x1b: {  	s9 =	sadd.s32 $0xFFFFFEF7, lr;
	s5 =	simm.s32 $0xFFFFFFFF;
	p2 =	slt.u32 s8, $0xFFFFF086  }
0x1c: {  	p1 =	slt.u32 s9, $0xF7A;
	s5 =	simm.s32 @!p2 $0x0  }
0x1d: {  	s5 =	simm.s32 @p1 $0x1;
	p0 =	seq.s32 s7, s2  }
0x1e: {  	s7 =	smul.u32 @!p0 $0xF7A, s2;
	p2 =	seq.s32 @!p0 s5, $0x0  }
0x1f: {  	s9 =	smul.u32 $0xF7A, s1;
	s8 =	simm.s32 @!p0 $0x1BF5;
	p2 =	por !p2, p0  }
0x20: {  	[sflag:s8] =	ssyncset.s32 @!p0 $0xFFFFF086;
	s6 =	sadd.s32 @!p0 s3, s7;
	s7 =	simm.s32 @!p0 $0x108  }
0x21: {  	s3 =	sadd.s32 s3, s9;
	s6 =	sadd.s32 @!p0 $0x88, s6;
	s7 =	simm.s32 @p2 $0x1082  }
0x22: {  	[simem:s7], [sflag:s8] =	dma.local @!p0 [hbm:s6], $0xF7A  }
0x23: {  	s9 =	sor.u32 $0xD0000000, s2;
	s6 =	simm.s32 $0x108;
	_ =	swait.ge @!p0 [sflag:s8], $0x0  }
0x24: {  	s3 =	sadd.s32 $0x88, s3;
	s6 =	simm.s32 @!p1 $0x1082;
	[sflag:s4] =	ssyncset.s32 $0xFFFFF086  }
0x25: {  	[simem:s6], [sflag:s4] =	dma.local [hbm:s3], $0xF7A  }
0x26: {  	[smem:$0x3F9F] =	sst s1;
	(tag) =	ssettag s2;
	_ =	strace s9  }
0x27: {  	s1 =	sld [smem:$0x3FAF]  }
0x28: {  	s2 =	sld [smem:$0x3FB0]  }
0x29: {  	s4 =	sld [smem:$0x3FB2]  }
0x2a: {  	p0 =	seq.s32 s5, $0x0;
	s5 =	sld [smem:$0x3FB3]  }
0x2b: {  	s6 =	sld [smem:$0x3FB4]  }
0x2c: {  	s7 =	sld [smem:$0x3FB5]  }
0x2d: {  	s3 =	simm.s32 $0x108;
	s8 =	sld [smem:$0x3FB6]  }
0x2e: {  	s3 =	simm.s32 @!p0 $0x1082;
	s9 =	sld [smem:$0x3FB7]  }
0x2f: {  	lr =	sadd.s32 s0, s3;
	s0 =	sld [smem:$0x3FAE]  }
0x30: {  	s3 =	sld [smem:$0x3FB1]  }
0x31: {  	[smem:$0x3FBA] =	sst s10  }
0x32: {  	s10 =	sld [smem:$0x3FB8];
	_ =	sdelay $0x3  }
0x33: {  	p0 =	seq.s32 s10, $0x1;
	s10 =	sld [smem:$0x3FBA];
	_ =	sdelay $0x3  }
0x34: {  	[smem:$0x3FBA] =	sst s10  }
0x35: {  	s10 =	sld [smem:$0x3FB9];
	_ =	sdelay $0x3  }
0x36: {  	p1 =	seq.s32 s10, $0x1;
	s10 =	sld [smem:$0x3FBA];
	_ =	sdelay $0x3  }
0x37: {  	[smem:$0x3FBA] =	sst s10  }
0x38: {  	s10 =	sld [smem:$0x3FBB]  }
0x39: {  	_ = 	snop;
	(pc) =	sbr.ind lr, $3  }
0x3a: {  	_ = 	snop  }
0x3b: {  	_ = 	snop  }
0x3c: {  	p2 =	seq.s32 s10, $0x1;
	s10 =	sld [smem:$0x3FBA]  }
0x3d: {  	_ =	shalt  }
0x3e: {  	_ =	shalt  }
0x3f: {  	_ =	shalt  }
0x40: {  	_ =	shalt  }
0x41: {  	_ =	shalt  }
0x42: {  	_ =	shalt  }
0x43: {  	_ =	shalt  }
0x44: {  	_ =	shalt  }
0x45: {  	_ =	shalt  }
0x46: {  	_ =	shalt  }
0x47: {  	_ =	shalt  }
0x48: {  	_ =	shalt  }
0x49: {  	_ =	shalt  }
0x4a: {  	_ =	shalt  }
0x4b: {  	_ =	shalt  }
0x4c: {  	_ =	shalt  }
0x4d: {  	_ =	shalt  }
0x4e: {  	_ =	shalt  }
0x4f: {  	_ =	shalt  }
0x50: {  	_ =	shalt  }
0x51: {  	_ =	shalt  }
0x52: {  	_ =	shalt  }
0x53: {  	_ =	shalt  }
0x54: {  	_ =	shalt  }
0x55: {  	_ =	shalt  }
0x56: {  	_ =	shalt  }
0x57: {  	_ =	shalt  }
0x58: {  	_ =	shalt  }
0x59: {  	_ =	shalt  }
0x5a: {  	_ =	shalt  }
0x5b: {  	_ =	shalt  }
0x5c: {  	_ =	shalt  }
0x5d: {  	_ =	shalt  }
0x5e: {  	_ =	shalt  }
0x5f: {  	_ =	shalt  }
0x60: {  	_ =	shalt  }
0x61: {  	_ =	shalt  }
0x62: {  	_ =	shalt  }
0x63: {  	_ =	shalt  }
0x64: {  	_ =	shalt  }
0x65: {  	_ =	shalt  }
0x66: {  	_ =	shalt  }
0x67: {  	_ =	shalt  }
0x68: {  	_ =	shalt  }
0x69: {  	_ =	shalt  }
0x6a: {  	_ =	shalt  }
0x6b: {  	_ =	shalt  }
0x6c: {  	_ =	shalt  }
0x6d: {  	_ =	shalt  }
0x6e: {  	_ =	shalt  }
0x6f: {  	_ =	shalt  }
0x70: {  	_ =	shalt  }
0x71: {  	_ =	shalt  }
0x72: {  	_ =	shalt  }
0x73: {  	_ =	shalt  }
0x74: {  	_ =	shalt  }
0x75: {  	_ =	shalt  }
0x76: {  	_ =	shalt  }
0x77: {  	_ =	shalt  }
0x78: {  	_ =	shalt  }
0x79: {  	_ =	shalt  }
0x7a: {  	_ =	shalt  }
0x7b: {  	_ =	shalt  }
0x7c: {  	_ =	shalt  }
0x7d: {  	_ =	shalt  }
0x7e: {  	_ =	shalt  }
0x7f: {  	_ =	shalt  }
0x80: {  	_ =	shalt  }
0x81: {  	_ =	shalt  }
0x82: {  	_ =	shalt  }
0x83: {  	_ =	shalt  }
0x84: {  	_ =	shalt  }
0x85: {  	_ =	shalt  }
0x86: {  	_ =	shalt  }
0x87: {  	_ =	shalt  }
.Lfunc_end0:
.L_simem_size_0:
called_computation_lowered:
.L_overlay_start_0:
0x88: {  	s2 =	sld [smem:$0x3FD9]  }
0x89: {  	s3 =	sld [smem:$0x3FFE];
	_ =	sdelay $0x1  }
0x8a: {  	s1 =	srdreg.scid  }
0x8b: {  	s0 =	sand.u32 $0x1, s1  }
0x8c: {  	s18 =	sshll.u32 s0, $0xA;
	s2 =	sadd.s32 s3, s2  }
0x8d: {  	s2 =	sadd.s32 s2, s18  }
0x8e: {  	[smem:$0x3FC6] =	sst s2  }
0x8f: {  	_ = 	snop  }
0x90: {  	s2 =	sld [smem:$0x3FC9]  }
0x91: {  	s19 =	sld [smem:$0x3FC8]  }
0x92: {  	s4 =	sld [smem:$0x3FD0];
	(tm) =	ssettm $0x1  }
0x93: {  	s5 =	sld [smem:$0x3FFB];
	_ =	sdelay $0x3  }
0x94: {  	_ =	strace s5  }
0x95: {  	s5 =	sld [smem:$0x3FFC];
	_ =	sdelay $0x3  }
0x96: {  	_ =	strace s5  }
0x97: {  	s5 =	sld [smem:$0x3FFD];
	_ =	sdelay $0x3  }
0x98: {  	_ =	strace s5  }
0x99: {  	_ =	strace $0x8FFFFFFF  }
0x9a: {  	s20 =	sld [smem:$0x3FDB];
	_ =	sdelay $0x1  }
0x9b: {  	s6 =	simm.s32 $_scs_section_size  }
0x9c: {  	s7 =	simm.s32 $_size__tile_overlayer_lowered;
	s8 =	simm.s32 $_tile_overlayer_lowered  }
0x9d: {  	s23 =	simm.s32 $0x1BFF;
	s22 =	sshll.u32 s8, $0x1;
	s5 =	sadd.s32 s6, s20  }
0x9e: {  	s9 =	simm.s32 $0x0;
	s21 =	sshll.u32 s7, $0x1;
	s7 =	sadd.s32 s22, s5  }
0x9f: {  	[timem:s9], [sflag:s23] =	dma.local [hbm:s7], s21  }
0xa0: {  	_ =	swait.ge [sflag:s23], s21  }
0xa1: {  	s6 =	ssub.s32 $0x0, s21;
	[sflag:s23] =	ssyncset.done $0x0  }
0xa2: {  	[sflag:s23] =	ssyncadd.s32 s6;
	_ =	sdelay $0x1  }
0xa3: {  	s24 =	simm.s32 $0x1B8B  }
0xa4: {  	_ =	swait.ge [sflag:s24], $0x1  }
0xa5: {  	[sflag:s24] =	ssyncset.done $0x0  }
0xa6: {  	s25 =	simm.s32 $0x1B8E;
	[sflag:s24] =	ssyncadd.s32 $0xFFFFFFFF  }
0xa7: {  	s26 =	simm.s32 $execute0_lowered;
	[smem:$0x3FD2] =	sst s25  }
0xa8: {  	s6 =	sshll.u32 s26, $0x1;
	_ =	strace $0x80000046;
	[dreg:$0x1] =	wrdreg $0xFFFFFFFF  }
0xa9: {  	s28 =	simm.s32 $_size_execute0_lowered;
	s5 =	sadd.s32 s5, s6;
	[dreg:$0x0] =	wrdreg $0x0  }
0xaa: {  	s6 =	sshll.u32 s28, $0x1;
	[dreg:$0x2] =	wrdreg s5  }
0xab: {  	[dreg:$0x3] =	wrdreg s6  }
0xac: {  	[dreg:$0x4] =	wrdreg $0xC0  }
0xad: {  	_ =	task [dreg:s9], $0x5FFFF  }
0xae: {  	[dreg:$0x1] =	wrdreg $0xFFFFFFFF  }
0xaf: {  	[dreg:$0x0] =	wrdreg $0x60  }
0xb0: {  	[dreg:$0x2] =	wrdreg s2  }
0xb1: {  	[dreg:$0x3] =	wrdreg s19  }
0xb2: {  	[dreg:$0x4] =	wrdreg s4  }
0xb3: {  	[dreg:$0x5] =	wrdreg $0x0  }
0xb4: {  	[dreg:$0x6] =	wrdreg $0x9  }
0xb5: {  	_ =	task.clear_ibuf [dreg:s9], $0x7FFFF;
	_ =	strace $0x90000046  }
0xb6: {  	s29 =	simm.s32 $0x9;
	_ =	strace $0x80000048  }
0xb7: {  	_ =	swait.ge [sflag:s29], $0x1  }
0xb8: {  	[sflag:s29] =	ssyncadd.s32 $0xFFFFFFFF  }
0xb9: {  	_ =	strace $0x90000048  }
0xba: {  	_ =	sfence  }
0xbb: {  	s30 =	sld [smem:$0x0];
	_ =	sdelay $0x2  }
0xbc: {  	s31 =	sshll.u32 s1, $0xD;
	s1 =	sshrl.u32 s1, $0x2  }
0xbd: {  	s3 =	sand.u32 $0x4000, s31;
	s1 =	sadd.s32 s1, s30  }
0xbe: {  	s0 =	sor.u32 s3, s0;
	s1 =	sshll.u32 s1, $0x11  }
0xbf: {  	s0 =	sor.u32 s1, s0  }
0xc0: {  	s0 =	sadd.s32 $0x8F2B, s0  }
0xc1: {  	[sflag:s0] =	ssyncadd.remote.s32 $0x1  }
0xc2: {  	_ =	sfence.sel $0xFFFF  }
0xc3: {  	[dreg:$0x0] =	wrdreg $0xFFFFFFFF;
	(pc) =	sbr.abs _section_cstart, $3  }
0xc4: {  	[dreg:$0x1] =	wrdreg $0xFFFFFFFF  }
0xc5: {  	_ =	task.clear_ibuf [dreg:s9], $0x2FFFF;
	_ =	strace $0x9FFFFFFF  }
0xc6: {  	(tm) =	ssettm $0x7FFFFFFF  }
0xc7: {  	_ =	shalt  }
tec
execute0_lowered:
.L_overlay_start_1:
0x0: {  	(tag) =	ssettag $0x1  }
0x1: {  	s1 =	rddreg [dreg:$0x0]  }
0x2: {  	s2 =	rddreg [dreg:$0x1]  }
0x3: {  	s5 =	rddreg [dreg:$0x2]  }
0x4: {  	s3 =	rddreg [dreg:$0x3]  }
0x5: {  	s0 =	rddreg [dreg:$0x4];
	s6 =	srdreg.scid;
	s4 =	simm.s32 $0x0  }
0x6: {  	s7 =	stileid.u32;
	s11 =	simm.s32 $0x1CFB8;
	s12 =	simm.s32 $0x0  }
0x7: {  	s6 =	sand.u32 $0x1, s6;
	[smem:$0x7FF] =	sst s4;
	s9 =	sshll.u32 s7, $0x1  }
.Ltmp0:
0x8: {  	p0 =	sne.s32 s7, $0x0;
	s8 =	ssub.s32 $0x2, s6;
	(pc) =	sbr.rel .LBB2_1-.Ltmp0, $4  }
0x9: {  	_ =	strace $0x80000047;
	s6 =	sor.u32 s6, s9;
	s7 =	sshrl.u32 @!p0 s3, $0x3  }
0xa: {  	v0 =	vlaneseq.u32;
	s10 =	sshrl.u32 s8, $0x1;
	s9 =	sshll.u32 s6, $0x2;
	s6 =	sshll.u32 s6, $0x7  }
0xb: {  	v2 =	vimm.f32 $-Inf;
	s8 =	ssub.s32 s8, s10;
	v1 =	vadd.s32 s9, v0;
	s5 =	sadd.s32 s5, s6;
	s9 =	simm.s32 $0x3  }
0xc: {  	vm0 =	vmmov $0x1;
	vm1 =	vcmask $0xF14;
	s10 =	simm.s32 $0xCFB8;
	s6 =	smax.u32 s8, $0x1;
	v1 =	vmin.u32 v1, $0x80;
	s8 =	simm.s32 $0xC38  }
.LBB2_14:
0xd: {  	s12 =	sadd.s32 $0x1, s12  }
0xe: {  	p1 =	sne.s32 s12, s6  }
.Ltmp1:
0xf: {  	_ = 	snop;
	(pc) =	sbr.rel @!p1 .LBB2_15-.Ltmp1, $4  }
0x10: {  	[hbm4b:s5+s4] =	stream.linear.scatter [tilespmem:s11], [sflag:$0x3], $0x400, $0x38;
	[tilespmem:$0x1D3B8] =	vst v63  }
0x11: {  	_ =	swait.ge [sflag:s9], $0x400  }
0x12: {  	[sflag:s9] =	ssyncset.done $0x0  }
0x13: {  	[sflag:s9] =	ssyncadd.s32 $0xFFFFFC00  }
.LBB2_1:
0x14: {  	s13 =	simm.s32 @!p0 $0x1C03  }
0x15: {  	[spmem:s7], [sflag:s13] =	dma.local @!p0 [hbm:s2], $0x1870  }
0x16: {  	s13 =	simm.s32 @!p0 $0x3  }
0x17: {  	_ =	swait.ge @!p0 [sflag:s13], $0x1870  }
0x18: {  	[sflag:s13] =	ssyncset.done @!p0 $0x0  }
0x19: {  	[sflag:s13] =	ssyncadd.s32 @!p0 $0xFFFFE790  }
0x1a: {  	[bflag:$0x0] =	sbarrier.arrive $0xFFFF  }
0x1b: {  	[tilespmem:s8], [sflag:$0x3] =	stream.linear.gather [spmem:s3], $0xC380, $0x38;
	[tilespmem:$0x1D3B8] =	vst v63  }
0x1c: {  	_ =	swait.ge [sflag:s9], $0xC380  }
0x1d: {  	[sflag:s9] =	ssyncset.done $0x0  }
0x1e: {  	v3 =	vimm.s32 $0x0;
	v4 =	vimm.s32 $0xC350;
	s13 =	simm.s32 $0x11;
	[sflag:s9] =	ssyncadd.s32 $0xFFFF3C80  }
.LBB2_2:
0x1f: {  	v5 =	vadd.s32 v3, v4  }
0x20: {  	v5 =	vshra.s32 v5, $0x1  }
0x21: {  	vm2 =	vlt.s32 v5, $0xC34F  }
0x22: {  	v6 =	vnsel vm2, $0xC34F, v5;
	_ =	sdelay $0x4  }
0x23: {  	v6 =	vld.idx.msk [tilespmem:v6+s8+$0x0], $0xffff;
	_ =	sdelay $0x1  }
0x24: {  	p1 =	sne.s32 s13, $0x1  }
.Ltmp2:
0x25: {  	_ = 	snop;
	(pc) =	sbr.rel @p1 .LBB2_2-.Ltmp2, $4  }
0x26: {  	_ = 	snop  }
0x27: {  	vm2 =	vlt.s32 v3, v4;
	vm3 =	vge.s32 v6, v1;
	vm4 =	vlt.s32 v6, v1  }
0x28: {  	v6 =	vadd.s32 $0x1, v5;
	vm4 =	vmand vm2, vm4;
	vm2 =	vmand vm2, vm3  }
0x29: {  	s13 =	sadd.s32 $0xFFFFFFFF, s13;
	v3 =	vsel vm4, v6, v3;
	v4 =	vsel vm2, v5, v4  }
0x2a: {  	s13 =	simm.s32 $0x40;
	s15 =	simm.s32 $0x0  }
.LBB2_4:
0x2b: {  	p1 =	sne.s32 s13, $0xFC0;
	[tilespmem:s15+$0x1CFB8] =	vst v2;
	s14 =	smov.u32 s13;
	s13 =	sadd.s32 $0x40, s13  }
.Ltmp3:
0x2c: {  	(pc) =	sbr.rel @p1 .LBB2_4-.Ltmp3, $2  }
0x2d: {  	_ =	sdelay $0x2  }
0x2e: {  	s15 =	sshra.s32 s14, $0x2  }
0x2f: {  	v4 =	vnsel vm0, $0xFFFFFFFF, v3  }
0x30: {  	v5 =	vsel vm1, $0xFFFFFFFF, v3;
	v4 =	vxor.u32 $0x80000000, v4  }
0x31: {  	(xrf0) =	vmax.scan.msk.u32 $0xffff, v4;
	v4 =	vxor.u32 $0x80000000, v5  }
0x32: {  	(xrf0) =	vmax.scan.msk.u32 $0xffff, v4;
	_ =	sdelay $0x4  }
0x33: {  	v4, _, _ =	vpop (xrf0)  }
0x34: {  	(v2sf) =	vpush v4, $0xF;
	v4, _, _ =	vpop (xrf0)  }
0x35: {  	(v2sf) =	vpush v4, $0xF;
	_ =	sdelay $0xd  }
0x36: {  	s13 =	spop (v2sf)  }
0x37: {  	s14 =	spop (v2sf);
	s13 =	sand.u32 $0xFFFFFFF8, s13  }
0x38: {  	s14 =	sxor.u32 $0x80000000, s14;
	s13 =	sxor.u32 $0x80000000, s13  }
0x39: {  	s14 =	ssub.s32 s14, s13  }
0x3a: {  	s14 =	sadd.s32 $0x7F, s14  }
0x3b: {  	s16 =	sand.u32 $0x7F, s14  }
0x3c: {  	s31 =	sshra.s32 s14, $0x1F;
	p2 =	slt.s32 s14, $0x1;
	p1 =	sne.s32 s16, $0x0  }
0x3d: {  	s16 =	sshrl.u32 s31, $0x19;
	p1 =	por !p2, !p1  }
0x3e: {  	s14 =	sadd.s32 s16, s14;
	s16 =	simm.s32 $0x1;
	p1 =	por !p1, !p1  }
0x3f: {  	s14 =	sshra.s32 s14, $0x7;
	s16 =	simm.s32 @!p1 $0x0  }
0x40: {  	s14 =	ssub.s32 s14, s16  }
0x41: {  	p1 =	slt.s32 s14, $0x1  }
.Ltmp4:
0x42: {  	_ = 	snop;
	(pc) =	sbr.rel @p1 .LBB2_14-.Ltmp4, $2  }
0x43: {  	_ =	sdelay $0x2  }
0x44: {  	[tilespmem:s15+$0x1CFB8] =	vst v2  }
0x45: {  	p1 =	slt.s32 s13, $0xC2D0;
	s15 =	smov.u32 s13  }
.Ltmp5:
0x46: {  	s15 =	simm.s32 @!p1 $0xC2D0;
	(pc) =	sbr.rel .LBB2_8-.Ltmp5, $4  }
0x47: {  	s15 =	sshll.u32 s15, $0x5  }
0x48: {  	s16 =	sadd.s32 s1, s15;
	s15 =	simm.s32 $0x0  }
0x49: {  	[tilespmem:s10], [sflag:$0x1] =	stream.linear.gather [hbm4b:s16+s15], $0x8000, $0x38;
	[tilespmem:$0x1D3B8] =	vst v63  }
0x4a: {  	v3 =	vxor.u32 $0x80000000, v3;
	p1 =	por $0x0, $0x0;
	s16 =	smov.u32 s13  }
.LBB2_7:
0x4b: {  	p2 =	seq.s32 s15, s14  }
.Ltmp6:
0x4c: {  	_ = 	snop;
	(pc) =	sbr.rel @p2 .LBB2_14-.Ltmp6, $2  }
0x4d: {  	_ =	sdelay $0x2  }
0x4e: {  	p1 =	por !p1, !p1;
	s16 =	sadd.s32 $0x80, s16  }
.LBB2_8:
0x4f: {  	s17 =	smov.u32 s15;
	s15 =	sadd.s32 $0x1, s15  }
0x50: {  	p2 =	sge.s32 s15, s14  }
0x51: {  	s18 =	sand.u32 $0x1, s17;
	s19 =	sshll.u32 @!p2 s15, $0x7  }
0x52: {  	s18 =	sadd.s32 $0x1, s18;
	s19 =	sadd.s32 @!p2 s13, s19  }
0x53: {  	_ =	swait.ge [sflag:s18], $0x8000;
	p3 =	slt.s32 @!p2 s19, $0xC2D0  }
0x54: {  	[sflag:s18] =	ssyncset.done $0x0;
	p3 =	por !p3, p2  }
0x55: {  	[sflag:s18] =	ssyncadd.s32 $0xFFFF8000;
	s18 =	sand.u32 @!p2 $0x1, s15;
	s19 =	simm.s32 @p3 $0xC2D0  }
0x56: {  	s20 =	sadd.s32 @!p2 $0x1, s18;
	s18 =	sshll.u32 @!p2 s18, $0xF;
	s19 =	sshll.u32 @!p2 s19, $0x5  }
0x57: {  	s21 =	simm.s32 @!p2 $0x0;
	s18 =	sadd.s32 @!p2 $0xCFB8, s18;
	s19 =	sadd.s32 @!p2 s1, s19  }
0x58: {  	[tilespmem:s18], [sflag:s20] =	stream.linear.gather @!p2 [hbm4b:s19+s21], $0x8000, $0x38;
	[tilespmem:$0x1D3B8] =	vst v63  }
.Ltmp7:
0x59: {  	s17 =	sshll.u32 s17, $0x7;
	(pc) =	sbr.rel .LBB2_9-.Ltmp7, $4  }
0x5a: {  	s17 =	sadd.s32 s13, s17;
	s18 =	simm.s32 $0x1  }
0x5b: {  	p2 =	slt.s32 s16, $0xC2D0;
	s19 =	smov.u32 s16;
	s20 =	simm.s32 $0x0  }
0x5c: {  	s18 =	simm.s32 @!p1 $0x0;
	s19 =	simm.s32 @!p2 $0xC2D0;
	p2 =	slt.s32 s17, $0xC2D0  }
0x5d: {  	s18 =	sshll.u32 s18, $0xF;
	s17 =	simm.s32 @!p2 $0xC2D0;
	s19 =	ssub.s32 $0x80000000, s19  }
.LBB2_12:
0x5e: {  	v25 =	vld [tilespmem:s23+$0xD408]  }
0x5f: {  	v26 =	vld [tilespmem:s23+$0xD418];
	_ =	sdelay $0x2  }
0x60: {  	v12 =	vmax.f32 v12, v21  }
0x61: {  	v13 =	vmax.f32 v13, v20;
	v14 =	vmax.f32 v14, v22;
	v15 =	vmax.f32 v15, v23  }
0x62: {  	v16 =	vmax.f32 v16, v24;
	v17 =	vmax.f32 v17, v25;
	v18 =	vmax.f32 v18, v26  }
.LBB2_13:
0x63: {  	[tilespmem:s21+$0x1CFB8] =	vst v4  }
0x64: {  	[tilespmem:s21+$0x1CFC8] =	vst v5  }
0x65: {  	[tilespmem:s21+$0x1CFD8] =	vst v6  }
0x66: {  	[tilespmem:s21+$0x1CFE8] =	vst v7  }
0x67: {  	[tilespmem:s21+$0x1CFF8] =	vst v8  }
0x68: {  	[tilespmem:s21+$0x1D008] =	vst v9  }
0x69: {  	[tilespmem:s21+$0x1D018] =	vst v10  }
0x6a: {  	[tilespmem:s21+$0x1D028] =	vst v11  }
0x6b: {  	[tilespmem:s21+$0x1D038] =	vst v12  }
0x6c: {  	[tilespmem:s21+$0x1D048] =	vst v13  }
0x6d: {  	[tilespmem:s21+$0x1D058] =	vst v14;
	p2 =	seq.s32 s20, $0x4  }
.Ltmp8:
0x6e: {  	[tilespmem:s21+$0x1D068] =	vst v15;
	(pc) =	sbr.rel @p2 .LBB2_7-.Ltmp8, $4  }
0x6f: {  	[tilespmem:s21+$0x1D078] =	vst v16  }
0x70: {  	[tilespmem:s21+$0x1D088] =	vst v17  }
0x71: {  	[tilespmem:s21+$0x1D098] =	vst v18  }
0x72: {  	[tilespmem:s21+$0x1D0A8] =	vst v19  }
.LBB2_9:
0x73: {  	s21 =	smov.u32 s20;
	v4 =	vmov s20;
	s20 =	sadd.s32 $0x1, s20  }
0x74: {  	vm2 =	veq.s32 v4, v0;
	v4 =	vmov s20  }
0x75: {  	v5 =	vnsel vm2, $0x7FFFFFFF, v3;
	vm2 =	veq.s32 v4, v0  }
0x76: {  	(xrf0) =	vmax.scan.msk.u32 $0xffff, v5;
	v4 =	vnsel vm2, $0x7FFFFFFF, v3  }
0x77: {  	(xrf0) =	vmax.scan.msk.u32 $0xffff, v4;
	_ =	sdelay $0x4  }
0x78: {  	v4, _, _ =	vpop (xrf0)  }
0x79: {  	(v2sf) =	vpush v4, $0xF;
	v4, _, _ =	vpop (xrf0)  }
0x7a: {  	(v2sf) =	vpush v4, $0xF;
	_ =	sdelay $0x8  }
0x7b: {  	s21 =	sshll.u32 s21, $0x8  }
0x7c: {  	s21 =	sand.u32 $0x3FFFFF00, s21  }
0x7d: {  	v5 =	vld [tilespmem:s21+$0x1CFC8]  }
0x7e: {  	v6 =	vld [tilespmem:s21+$0x1CFD8]  }
0x7f: {  	v7 =	vld [tilespmem:s21+$0x1CFE8]  }
0x80: {  	v8 =	vld [tilespmem:s21+$0x1CFF8];
	s23 =	spop (v2sf)  }
0x81: {  	v9 =	vld [tilespmem:s21+$0x1D008];
	s22 =	spop (v2sf)  }
0x82: {  	v10 =	vld [tilespmem:s21+$0x1D018];
	s22 =	sxor.u32 $0x80000000, s22  }
0x83: {  	v11 =	vld [tilespmem:s21+$0x1D028];
	s24 =	sxor.u32 $0x80000000, s23;
	s22 =	ssub.s32 s22, s17  }
0x84: {  	v12 =	vld [tilespmem:s21+$0x1D038];
	s24 =	ssub.s32 s24, s17;
	p2 =	sgt.s32 s22, $0x0  }
0x85: {  	v13 =	vld [tilespmem:s21+$0x1D048];
	s22 =	simm.s32 @!p2 $0x0;
	p2 =	sgt.s32 s24, $0x0  }
0x86: {  	v14 =	vld [tilespmem:s21+$0x1D058];
	s24 =	simm.s32 @!p2 $0x0;
	s22 =	smin.u32 s22, $0x80  }
0x87: {  	v15 =	vld [tilespmem:s21+$0x1D068];
	p2 =	sge.u32 s24, s22  }
.Ltmp9:
0x88: {  	v4 =	vld [tilespmem:s21+$0x1CFB8];
	(pc) =	sbr.rel @p2 .LBB2_13-.Ltmp9, $4  }
0x89: {  	v16 =	vld [tilespmem:s21+$0x1D078]  }
0x8a: {  	v17 =	vld [tilespmem:s21+$0x1D088]  }
0x8b: {  	v18 =	vld [tilespmem:s21+$0x1D098]  }
0x8c: {  	v19 =	vld [tilespmem:s21+$0x1D0A8]  }
0x8d: {  	s23 =	sadd.s32 s23, s19  }
0x8e: {  	p2 =	sgt.s32 s23, $0x0  }
0x8f: {  	s23 =	simm.s32 @!p2 $0x0  }
0x90: {  	s25 =	sshll.u32 s23, $0x8  }
0x91: {  	s26 =	sshll.u32 s23, $0x7;
	s25 =	sadd.s32 s25, s18  }
0x92: {  	s28 =	sand.u32 $0x380, s26;
	s31 =	sand.u32 $0x7FFFF800, s25  }
0x93: {  	s23 =	sor.u32 s28, s31  }
0x94: {  	v22 =	vld [tilespmem:s23+$0xD428]  }
0x95: {  	v23 =	vld [tilespmem:s23+$0xCFB8]  }
0x96: {  	v24 =	vld [tilespmem:s23+$0xCFC8]  }
0x97: {  	v25 =	vld [tilespmem:s23+$0xCFD8]  }
0x98: {  	v26 =	vld [tilespmem:s23+$0xCFE8]  }
0x99: {  	v27 =	vld [tilespmem:s23+$0xCFF8]  }
0x9a: {  	v28 =	vld [tilespmem:s23+$0xD008]  }
0x9b: {  	s24 =	sadd.s32 $0x1, s24;
	v29 =	vld [tilespmem:s23+$0xD018]  }
0x9c: {  	p2 =	slt.u32 s24, s22;
	v30 =	vld [tilespmem:s23+$0xD028]  }
.Ltmp10:
0x9d: {  	v21 =	vld [tilespmem:s23+$0xD3B8];
	(pc) =	sbr.rel @!p2 .LBB2_12-.Ltmp10, $4  }
0x9e: {  	v20 =	vld [tilespmem:s23+$0xD3C8]  }
0x9f: {  	v19 =	vmax.f32 v19, v22;
	v4 =	vmax.f32 v4, v23;
	v5 =	vmax.f32 v5, v24;
	v22 =	vld [tilespmem:s23+$0xD3D8]  }
0xa0: {  	v6 =	vmax.f32 v6, v25;
	v7 =	vmax.f32 v7, v26;
	v8 =	vmax.f32 v8, v27;
	v23 =	vld [tilespmem:s23+$0xD3E8]  }
0xa1: {  	s26 =	sadd.s32 $0x80, s26;
	s25 =	sadd.s32 $0x100, s25;
	v9 =	vmax.f32 v9, v28;
	v10 =	vmax.f32 v10, v29;
	v11 =	vmax.f32 v11, v30;
	v24 =	vld [tilespmem:s23+$0xD3F8]  }
.LBB2_11:
0xa2: {  	s28 =	sand.u32 $0x7FFFF800, s25;
	s29 =	sand.u32 $0x380, s26;
	s24 =	sadd.s32 $0x1, s24;
	v12 =	vmax.f32 v12, v21;
	v21 =	vld [tilespmem:s23+$0xD408]  }
0xa3: {  	v13 =	vmax.f32 v13, v20;
	p2 =	slt.u32 s24, s22;
	v20 =	vld [tilespmem:s23+$0xD418];
	s23 =	sor.u32 s29, s28  }
0xa4: {  	v14 =	vmax.f32 v14, v22;
	v25 =	vld [tilespmem:s23+$0xD428]  }
0xa5: {  	v15 =	vmax.f32 v15, v23;
	v22 =	vld [tilespmem:s23+$0xCFB8]  }
0xa6: {  	v16 =	vmax.f32 v16, v24;
	v23 =	vld [tilespmem:s23+$0xCFC8]  }
0xa7: {  	v24 =	vld [tilespmem:s23+$0xCFD8];
	v17 =	vmax.f32 v17, v21  }
0xa8: {  	v21 =	vld [tilespmem:s23+$0xCFE8];
	v18 =	vmax.f32 v18, v20  }
0xa9: {  	v20 =	vld [tilespmem:s23+$0xCFF8];
	v19 =	vmax.f32 v19, v25  }
0xaa: {  	v4 =	vmax.f32 v4, v22;
	v22 =	vld [tilespmem:s23+$0xD008]  }
0xab: {  	v5 =	vmax.f32 v5, v23;
	v23 =	vld [tilespmem:s23+$0xD018]  }
0xac: {  	v6 =	vmax.f32 v6, v24;
	v24 =	vld [tilespmem:s23+$0xD028]  }
.Ltmp11:
0xad: {  	v7 =	vmax.f32 v7, v21;
	v21 =	vld [tilespmem:s23+$0xD3B8];
	(pc) =	sbr.rel @p2 .LBB2_11-.Ltmp11, $4  }
0xae: {  	v8 =	vmax.f32 v8, v20;
	v20 =	vld [tilespmem:s23+$0xD3C8]  }
0xaf: {  	v9 =	vmax.f32 v9, v22;
	v22 =	vld [tilespmem:s23+$0xD3D8]  }
0xb0: {  	v10 =	vmax.f32 v10, v23;
	v23 =	vld [tilespmem:s23+$0xD3E8]  }
0xb1: {  	s25 =	sadd.s32 $0x100, s25;
	s26 =	sadd.s32 $0x80, s26;
	v11 =	vmax.f32 v11, v24;
	v24 =	vld [tilespmem:s23+$0xD3F8]  }
.Ltmp12:
0xb2: {  	_ = 	snop;
	(pc) =	sbr.rel .LBB2_12-.Ltmp12, $1  }
0xb3: {  	_ =	sdelay $0x3  }
.LBB2_15:
0xb4: {  	_ =	sfence.sel $0x180000  }
0xb5: {  	[bflag:$0x0] =	sbarrier.arrive $0xFFFF  }
0xb6: {  	_ =	strace $0x90000047  }
0xb7: {  	s0 =	sadd.s32 @!p0 $0x100000, s0;
	[bflag:$0x2] =	sbarrier.arrive $0xFFFF  }
0xb8: {  	[sflag:s0] =	ssyncadd.tile.s32 @!p0 $0x1;
	_ =	shalt  }
.Lfunc_end2:
_tile_overlayer_lowered:
.L_overlay_start_2:
0xb9: {  	(tag) =	ssettag $0x2  }
0xba: {  	s0 =	rddreg [dreg:$0x0];
	s2 =	stileid.u32  }
0xbb: {  	s1 =	rddreg [dreg:$0x1];
	p0 =	sne.s32 s2, $0x0  }
0xbc: {  	s3 =	rddreg [dreg:$0x2];
	[bflag:$0x3] =	sbarrier.arrive $0xFFFF;
	s2 =	simm.s32 @!p0 $0x1C03  }
0xbd: {  	[timem:s3], [sflag:s2] =	dma.local @!p0 [hbm:s0], s1  }
0xbe: {  	s0 =	simm.s32 @!p0 $0x3  }
0xbf: {  	_ =	swait.ge @!p0 [sflag:s0], s1  }
0xc0: {  	s1 =	ssub.s32 @!p0 $0x0, s1;
	[sflag:s0] =	ssyncset.done @!p0 $0x0  }
0xc1: {  	[sflag:s0] =	ssyncadd.s32 @!p0 s1  }
0xc2: {  	[bflag:$0x3] =	sbarrier.arrive $0xFFFF  }
0xc3: {  	_ =	shalt  }

</sc_bundles>
